<compile_context>
chip_gen: v7x
topology: tpu7x:2x2x1
jax: 0.10.2.dev20260603
libtpu: 0.0.44.dev20260713+nightly
codegen_flags: <defaults>
</compile_context>

<pallas_src>
import functools

import jax
import jax.numpy as jnp
from jax import lax
from jax.experimental import pallas as pl
from jax.experimental.pallas import tpu as pltpu
from jax.experimental.pallas import tpu_sc as plsc

_IGNORE_INDEX = -100
_MAX_ITER = 3
_LANES = 16
_NUM_CORES = 2
_NUM_SUBCORES = 16


def _argmax_body(x_ref, out_ref):
    x = x_ref[...]
    pred = jnp.argmax(x, axis=-1, keepdims=True)
    out_ref[...] = pred.astype(jnp.int32)


def _sc_pos_body(mask_hbm, pos_hbm, mask_v, pos_v, *, B, S):
    cid = lax.axis_index("c")
    sid = lax.axis_index("s")

    @pl.when((cid == 0) & (sid < B))
    def _():
        row = sid
        pltpu.sync_copy(mask_hbm.at[row], mask_v)
        n_chunks = S // _LANES

        def body(i, carry):
            sl = pl.ds(i * _LANES, _LANES)
            mv = mask_v[sl]
            cs = plsc.cumsum(mv) + carry
            pos_v[sl] = jnp.clip(cs - 1, 0, S - 1)
            cnt = plsc.all_reduce_population_count(mv != 0)
            return carry + cnt

        lax.fori_loop(0, n_chunks, body,
                      jnp.zeros((_LANES,), dtype=jnp.int32))
        pltpu.sync_copy(pos_v, pos_hbm.at[row])


def _sc_assign_body(pred_hbm, lab_hbm, valid_hbm, mask_hbm, full_hbm,
                    pos_hbm, depth_hbm, la_hbm, full_out_hbm,
                    pred_v, lab_v, valid_v, mask_v, full_v, pos_v,
                    depth_v, la_v, prop_v, out_v, *, B, S):
    cid = lax.axis_index("c")
    sid = lax.axis_index("s")

    @pl.when((cid == 0) & (sid < B))
    def _():
        row = sid
        pltpu.sync_copy(pred_hbm.at[row], pred_v)
        pltpu.sync_copy(lab_hbm.at[row], lab_v)
        pltpu.sync_copy(valid_hbm.at[row], valid_v)
        pltpu.sync_copy(mask_hbm.at[row], mask_v)
        pltpu.sync_copy(full_hbm.at[row], full_v)
        pltpu.sync_copy(pos_hbm.at[row], pos_v)
        pltpu.sync_copy(depth_hbm, depth_v)

        d = depth_v[pl.ds(0, _LANES)]
        n_chunks = S // _LANES

        UNROLL = 4

        def body1(i0, carry):
            for u in range(UNROLL):
                i = i0 * UNROLL + u
                sl = pl.ds(i * _LANES, _LANES)
                pred = pred_v[sl]
                lab = lab_v[sl]
                valid = valid_v[sl]
                mv = mask_v[sl]
                s_glob = lax.iota(jnp.int32, _LANES) + i * _LANES
                cont = (pred != lab) & (s_glob < S - 1) & (lab != _IGNORE_INDEX)
                la = jnp.where(cont, d + 1, d)
                la = jnp.minimum(la, _MAX_ITER)
                la = jnp.where(valid == 1, la, _IGNORE_INDEX)
                la_v[sl] = la
                prop_v[sl] = jnp.where(la == _IGNORE_INDEX, 0, la)
                g = plsc.load_gather(prop_v, [pos_v[sl]])
                fv = full_v[sl]
                out_v[sl] = jnp.maximum(fv, jnp.where(mv != 0, g, 0))
            return carry

        lax.fori_loop(0, n_chunks // UNROLL, body1, jnp.int32(0))

        pltpu.sync_copy(la_v, la_hbm.at[row])
        pltpu.sync_copy(out_v, full_out_hbm.at[row])


def kernel(active_logits, active_labels_shifted, iter_depth,
           current_iter_mask, active_valid_mask, full_labels):
    B, S, V = active_logits.shape
    BS = 2048
    n_sblk = S // BS

    lab = active_labels_shifted.astype(jnp.int32)
    valid = active_valid_mask.astype(jnp.int32)
    maskv = current_iter_mask.astype(jnp.int32)
    full = full_labels.astype(jnp.int32)
    depth = jnp.full((_LANES,), iter_depth, dtype=jnp.int32)

    mesh = plsc.VectorSubcoreMesh(
        core_axis_name="c", subcore_axis_name="s",
        num_cores=_NUM_CORES, num_subcores=_NUM_SUBCORES)
    row_i32 = functools.partial(pltpu.VMEM, (S,), jnp.int32)

    HB = B
    sc_pos = pl.kernel(
        functools.partial(_sc_pos_body, B=B, S=S),
        out_type=jax.ShapeDtypeStruct((B, S), jnp.int32),
        mesh=mesh,
        scratch_types=[row_i32(), row_i32()],
        compiler_params=pltpu.CompilerParams(needs_layout_passes=False),
    )
    sc_call = pl.kernel(
        functools.partial(_sc_assign_body, B=HB, S=S),
        out_type=[jax.ShapeDtypeStruct((HB, S), jnp.int32),
                  jax.ShapeDtypeStruct((HB, S), jnp.int32)],
        mesh=mesh,
        scratch_types=[row_i32(), row_i32(), row_i32(), row_i32(), row_i32(),
                       row_i32(),
                       pltpu.VMEM((_LANES,), jnp.int32),
                       row_i32(), row_i32(), row_i32()],
        compiler_params=pltpu.CompilerParams(needs_layout_passes=False),
    )

    def tc_argmax(row0):
        pred = pl.pallas_call(
            _argmax_body,
            grid=(HB, n_sblk),
            in_specs=[pl.BlockSpec((1, BS, V),
                                   lambda b, s: (b + row0, s, 0))],
            out_specs=pl.BlockSpec((1, BS, 1), lambda b, s: (b, s, 0)),
            out_shape=jax.ShapeDtypeStruct((HB, BS, 1), jnp.int32),
            compiler_params=pltpu.CompilerParams(
                dimension_semantics=("arbitrary", "arbitrary"),
                vmem_limit_bytes=100 * 1024 * 1024),
        )(active_logits)
        return pred.reshape(HB, S)

    pos = sc_pos(maskv)
    pred = tc_argmax(0)
    la, full_new = sc_call(pred, lab, valid, maskv, full, pos, depth)
    return la, full_new

# --- scband reference (transcript-rebuilt; emitter-appended) ---
"""Pipeline reference for scband-dynamic-mismatch-iter-label-generator-68839735820398 (READ-ONLY COPY).

The authoritative reference and input builder live on the scoring server;
editing this copy changes nothing except your own understanding.
"""

import jax, jax.numpy as jnp
import numpy as np

IGNORE_INDEX = -100
MAX_ITER = 3

def setup_inputs(seed: int = 0) -> dict:
    key = jax.random.key(seed)
    k1, k2, k3, k4 = jax.random.split(key, 4)
    B, S, V = 16, 2048, 2048
    active_logits = jax.random.normal(k1, (B, S, V), dtype=jnp.float32)
    active_labels_shifted = jax.random.randint(k2, (B, S), 0, V)
    iter_depth = 1
    current_iter_mask = jax.random.randint(k3, (B, S), 0, 2).astype(bool)
    active_valid_mask = jax.random.randint(k4, (B, S), 0, 2)
    full_labels = jnp.zeros((B, S), dtype=jnp.int32)
    return {
        "active_logits": active_logits,
        "active_labels_shifted": active_labels_shifted,
        "iter_depth": iter_depth,
        "current_iter_mask": current_iter_mask,
        "active_valid_mask": active_valid_mask,
        "full_labels": full_labels,
    }


def _compute_mismatch_continue(logits, labels_shifted, ignore_index):
    # logits.ndim >= 2, logits.shape[-2] > 1, labels.shape[-1] > 1 holds for our shapes
    shifted_logits = logits[..., :-1, :]
    shifted_labels = labels_shifted[..., :-1]
    predicted = jnp.argmax(shifted_logits, axis=-1)
    mismatch = predicted != shifted_labels
    cont = jnp.concatenate([mismatch, jnp.zeros_like(mismatch[..., :1])], axis=-1)
    valid = labels_shifted != ignore_index
    return cont & valid


def reference(active_logits, active_labels_shifted, iter_depth, current_iter_mask, active_valid_mask, full_labels):
    continue_mask = _compute_mismatch_continue(active_logits, active_labels_shifted, IGNORE_INDEX)
    valid_active = active_valid_mask == 1
    depth = jnp.full(active_logits.shape[:-1], iter_depth, dtype=jnp.int32)
    labels_active = jnp.where(continue_mask, depth + 1, depth)
    labels_active = jnp.minimum(labels_active, MAX_ITER)  # torch.clamp(max=max_iter)
    labels_active = jnp.where(valid_active, labels_active, IGNORE_INDEX)
    labels_active = labels_active.astype(jnp.int32)

    # _assign_active: dest[b, mask[b]] = proposal[b, :n]  (compaction scatter)
    proposal = jnp.where(labels_active == IGNORE_INDEX, 0, labels_active)
    m = current_iter_mask.astype(jnp.int32)
    pos = jnp.cumsum(m, axis=1) - 1  # rank of each True position within its row
    pos = jnp.clip(pos, 0, proposal.shape[1] - 1)
    gathered = jnp.take_along_axis(proposal, pos, axis=1)
    tmp = jnp.where(current_iter_mask, gathered, 0)
    full_labels_new = jnp.maximum(full_labels, tmp)
    return labels_active, full_labels_new

if __name__ == "__main__":
    import jax
    _d = setup_inputs()
    print(jax.jit(kernel)(*tuple(_d.values())))

</pallas_src>

<mosaic_0001>
#map = affine_map<(d0, d1) -> (0, 0)>
module attributes {stable_mosaic.version = 14 : i64} {
  func.func @_sc_pos_body(%arg0: i32, %arg1: i32, %arg2: memref<16x2048xi32, #tpu.memory_space<hbm>>, %arg3: memref<16x2048xi32, #tpu.memory_space<hbm>>, %arg4: memref<2048xi32, #tpu.memory_space<vmem>>, %arg5: memref<2048xi32, #tpu.memory_space<vmem>>) attributes {dimension_semantics = [#tpu.dimension_semantics<core_parallel>, #tpu.dimension_semantics<subcore_parallel>], iteration_bounds = array<i64: 2, 16>, scalar_prefetch = 0 : i64, scratch_operands = 2 : i64, tpu.core_type = #tpu.core_type<sc_vector_subcore>, window_params = [{transform_indices = #map}, {transform_indices = #map}]} {
    %eq3A = arith.constant 0 : i32
    %eq3A_0 = arith.cmpi eq, %arg0, %eq3A : i32
    %lt3A = arith.constant 16 : i32
    %lt3A_1 = arith.cmpi slt, %arg1, %lt3A : i32
    %and3A = arith.andi %eq3A_0, %lt3A_1 : i1
    %convert_element_type3A = arith.extui %and3A : i1 to i32
    %cond3A = arith.constant 0 : i32
    %cond3A_2 = arith.cmpi ne, %convert_element_type3A, %cond3A : i32
    scf.if %cond3A_2 {
      "tpu.region"() ({
        %run_scoped3A = tpu.sem_alloc : memref<!tpu.dma_semaphore, #tpu.memory_space<semaphore_mem>>
        %dma_start3A = arith.constant 0 : i32
        %dma_start3A_9 = tpu.memref_slice %arg2[%arg1, %dma_start3A] : memref<16x2048xi32, #tpu.memory_space<hbm>> -> memref<1x2048xi32, #tpu.memory_space<hbm>>
        %dma_start3A_10 = tpu.memref_squeeze %dma_start3A_9 : memref<1x2048xi32, #tpu.memory_space<hbm>> -> memref<2048xi32, #tpu.memory_space<hbm>>
        %dma_start3A_11 = arith.constant 0 : i32
        %dma_start3A_12 = tpu.memref_slice %arg2[%arg1, %dma_start3A_11] : memref<16x2048xi32, #tpu.memory_space<hbm>> -> memref<1x2048xi32, #tpu.memory_space<hbm>>
        %dma_start3A_13 = tpu.memref_squeeze %dma_start3A_12 : memref<1x2048xi32, #tpu.memory_space<hbm>> -> memref<2048xi32, #tpu.memory_space<hbm>>
        tpu.enqueue_dma source(%dma_start3A_13 : memref<2048xi32, #tpu.memory_space<hbm>>) target(%arg4 : memref<2048xi32, #tpu.memory_space<vmem>>) target_semaphore(%run_scoped3A : memref<!tpu.dma_semaphore, #tpu.memory_space<semaphore_mem>>)
        %dma_wait3A = arith.constant 0 : i32
        %dma_wait3A_14 = tpu.memref_slice %arg2[%arg1, %dma_wait3A] : memref<16x2048xi32, #tpu.memory_space<hbm>> -> memref<1x2048xi32, #tpu.memory_space<hbm>>
        %dma_wait3A_15 = tpu.memref_squeeze %dma_wait3A_14 : memref<1x2048xi32, #tpu.memory_space<hbm>> -> memref<2048xi32, #tpu.memory_space<hbm>>
        %dma_wait3A_16 = arith.constant 0 : i32
        %dma_wait3A_17 = tpu.memref_slice %arg2[%arg1, %dma_wait3A_16] : memref<16x2048xi32, #tpu.memory_space<hbm>> -> memref<1x2048xi32, #tpu.memory_space<hbm>>
        %dma_wait3A_18 = tpu.memref_squeeze %dma_wait3A_17 : memref<1x2048xi32, #tpu.memory_space<hbm>> -> memref<2048xi32, #tpu.memory_space<hbm>>
        tpu.wait_dma2 semaphore(%run_scoped3A : memref<!tpu.dma_semaphore, #tpu.memory_space<semaphore_mem>>) src(%dma_wait3A_18 : memref<2048xi32, #tpu.memory_space<hbm>>) dst(%arg4 : memref<2048xi32, #tpu.memory_space<vmem>>)
        tpu.yield
      }) : () -> ()
      %broadcast_in_dim3A = arith.constant 0 : i32
      %broadcast_in_dim3A_3 = vector.broadcast %broadcast_in_dim3A : i32 to vector<16xi32>
      %scan3A = arith.constant 0 : i32
      %scan3A_4 = arith.constant 128 : i32
      %scan3A_5 = arith.addi %scan3A, %scan3A_4 : i32
      %scan3A_6 = arith.constant 1 : i32
      %scan3A_7 = scf.for %scan3A_9 = %scan3A to %scan3A_5 step %scan3A_6 iter_args(%scan3A_10 = %broadcast_in_dim3A_3) -> (vector<16xi32>)  : i32 {
        %mul3A = arith.constant 16 : i32
        %mul3A_11 = arith.muli %scan3A_9, %mul3A : i32
        %get3A = arith.index_cast %mul3A_11 : i32 to index
        %get3A_12 = tpu.vector_load %arg4[%get3A] {strides = array<i32>} : memref<2048xi32, #tpu.memory_space<vmem>>, vector<16xi32>,
        %broadcast_in_dim3A_13 = arith.constant true
        %broadcast_in_dim3A_14 = vector.broadcast %broadcast_in_dim3A_13 : i1 to vector<16xi1>
        %masked_cumsum3A = tpu.scan <sum>, %get3A_12 masked %broadcast_in_dim3A_14 : vector<16xi32>, vector<16xi1> -> vector<16xi32>
        %add3A = arith.addi %masked_cumsum3A, %scan3A_10 : vector<16xi32>
        %sub3A = arith.constant 1 : i32
        %sub3A_15 = vector.broadcast %sub3A : i32 to vector<16xi32>
        %sub3A_16 = arith.subi %add3A, %sub3A_15 : vector<16xi32>
        %jit3A = arith.constant 0 : i32
        %jit3A_17 = arith.constant 2047 : i32
        %max3A = vector.broadcast %jit3A : i32 to vector<16xi32>
        %max3A_18 = arith.maxsi %max3A, %sub3A_16 : vector<16xi32>
        %min3A = vector.broadcast %jit3A_17 : i32 to vector<16xi32>
        %min3A_19 = arith.minsi %min3A, %max3A_18 : vector<16xi32>
        %swap3A = arith.index_cast %mul3A_11 : i32 to index
        %swap3A_20 = tpu.vector_load %arg5[%swap3A] {strides = array<i32>} : memref<2048xi32, #tpu.memory_space<vmem>>, vector<16xi32>,
        tpu.vector_store %arg5[%swap3A], %min3A_19 {strides = array<i32>} : memref<2048xi32, #tpu.memory_space<vmem>>, vector<16xi32>,
        %ne3A = arith.constant 0 : i32
        %ne3A_21 = vector.broadcast %ne3A : i32 to vector<16xi32>
        %ne3A_22 = arith.cmpi ne, %get3A_12, %ne3A_21 : vector<16xi32>
        %all_reduce_population_count3A = tpu.all_reduce %ne3A_22 {dim = 0 : i64, kind = #tpu.reduction_kind<sum>} : vector<16xi1> -> vector<16xi32>
        %add3A_23 = arith.addi %scan3A_10, %all_reduce_population_count3A : vector<16xi32>
        scf.yield %add3A_23 : vector<16xi32>
      }
      %scan3A_8 = arith.constant 128 : i32
      "tpu.region"() ({
        %run_scoped3A = tpu.sem_alloc : memref<!tpu.dma_semaphore, #tpu.memory_space<semaphore_mem>>
        %dma_start3A = arith.constant 0 : i32
        %dma_start3A_9 = tpu.memref_slice %arg3[%arg1, %dma_start3A] : memref<16x2048xi32, #tpu.memory_space<hbm>> -> memref<1x2048xi32, #tpu.memory_space<hbm>>
        %dma_start3A_10 = tpu.memref_squeeze %dma_start3A_9 : memref<1x2048xi32, #tpu.memory_space<hbm>> -> memref<2048xi32, #tpu.memory_space<hbm>>
        %dma_start3A_11 = arith.constant 0 : i32
        %dma_start3A_12 = tpu.memref_slice %arg3[%arg1, %dma_start3A_11] : memref<16x2048xi32, #tpu.memory_space<hbm>> -> memref<1x2048xi32, #tpu.memory_space<hbm>>
        %dma_start3A_13 = tpu.memref_squeeze %dma_start3A_12 : memref<1x2048xi32, #tpu.memory_space<hbm>> -> memref<2048xi32, #tpu.memory_space<hbm>>
        tpu.enqueue_dma source(%arg5 : memref<2048xi32, #tpu.memory_space<vmem>>) target(%dma_start3A_13 : memref<2048xi32, #tpu.memory_space<hbm>>) target_semaphore(%run_scoped3A : memref<!tpu.dma_semaphore, #tpu.memory_space<semaphore_mem>>)
        %dma_wait3A = arith.constant 0 : i32
        %dma_wait3A_14 = tpu.memref_slice %arg3[%arg1, %dma_wait3A] : memref<16x2048xi32, #tpu.memory_space<hbm>> -> memref<1x2048xi32, #tpu.memory_space<hbm>>
        %dma_wait3A_15 = tpu.memref_squeeze %dma_wait3A_14 : memref<1x2048xi32, #tpu.memory_space<hbm>> -> memref<2048xi32, #tpu.memory_space<hbm>>
        %dma_wait3A_16 = arith.constant 0 : i32
        %dma_wait3A_17 = tpu.memref_slice %arg3[%arg1, %dma_wait3A_16] : memref<16x2048xi32, #tpu.memory_space<hbm>> -> memref<1x2048xi32, #tpu.memory_space<hbm>>
        %dma_wait3A_18 = tpu.memref_squeeze %dma_wait3A_17 : memref<1x2048xi32, #tpu.memory_space<hbm>> -> memref<2048xi32, #tpu.memory_space<hbm>>
        tpu.wait_dma2 semaphore(%run_scoped3A : memref<!tpu.dma_semaphore, #tpu.memory_space<semaphore_mem>>) src(%arg5 : memref<2048xi32, #tpu.memory_space<vmem>>) dst(%dma_wait3A_18 : memref<2048xi32, #tpu.memory_space<hbm>>)
        tpu.yield
      }) : () -> ()
    } else {
    }
    return
  }
}

#map = affine_map<(d0, d1) -> (0, 0)>
#map1 = affine_map<(d0, d1) -> (0)>
module attributes {stable_mosaic.version = 14 : i64} {
  func.func @_sc_assign_body(%arg0: i32, %arg1: i32, %arg2: memref<16x2048xi32, #tpu.memory_space<hbm>>, %arg3: memref<16x2048xi32, #tpu.memory_space<hbm>>, %arg4: memref<16x2048xi32, #tpu.memory_space<hbm>>, %arg5: memref<16x2048xi32, #tpu.memory_space<hbm>>, %arg6: memref<16x2048xi32, #tpu.memory_space<hbm>>, %arg7: memref<16x2048xi32, #tpu.memory_space<hbm>>, %arg8: memref<16xi32, #tpu.memory_space<hbm>>, %arg9: memref<16x2048xi32, #tpu.memory_space<hbm>>, %arg10: memref<16x2048xi32, #tpu.memory_space<hbm>>, %arg11: memref<2048xi32, #tpu.memory_space<vmem>>, %arg12: memref<2048xi32, #tpu.memory_space<vmem>>, %arg13: memref<2048xi32, #tpu.memory_space<vmem>>, %arg14: memref<2048xi32, #tpu.memory_space<vmem>>, %arg15: memref<2048xi32, #tpu.memory_space<vmem>>, %arg16: memref<2048xi32, #tpu.memory_space<vmem>>, %arg17: memref<16xi32, #tpu.memory_space<vmem>>, %arg18: memref<2048xi32, #tpu.memory_space<vmem>>, %arg19: memref<2048xi32, #tpu.memory_space<vmem>>, %arg20: memref<2048xi32, #tpu.memory_space<vmem>>) attributes {dimension_semantics = [#tpu.dimension_semantics<core_parallel>, #tpu.dimension_semantics<subcore_parallel>], iteration_bounds = array<i64: 2, 16>, scalar_prefetch = 0 : i64, scratch_operands = 10 : i64, tpu.core_type = #tpu.core_type<sc_vector_subcore>, window_params = [{transform_indices = #map}, {transform_indices = #map}, {transform_indices = #map}, {transform_indices = #map}, {transform_indices = #map}, {transform_indices = #map}, {transform_indices = #map1}, {transform_indices = #map}, {transform_indices = #map}]} {
    %eq3A = arith.constant 0 : i32
    %eq3A_0 = arith.cmpi eq, %arg0, %eq3A : i32
    %lt3A = arith.constant 16 : i32
    %lt3A_1 = arith.cmpi slt, %arg1, %lt3A : i32
    %and3A = arith.andi %eq3A_0, %lt3A_1 : i1
    %convert_element_type3A = arith.extui %and3A : i1 to i32
    %cond3A = arith.constant 0 : i32
    %cond3A_2 = arith.cmpi ne, %convert_element_type3A, %cond3A : i32
    scf.if %cond3A_2 {
      "tpu.region"() ({
        %run_scoped3A = tpu.sem_alloc : memref<!tpu.dma_semaphore, #tpu.memory_space<semaphore_mem>>
        %dma_start3A = arith.constant 0 : i32
        %dma_start3A_9 = tpu.memref_slice %arg2[%arg1, %dma_start3A] : memref<16x2048xi32, #tpu.memory_space<hbm>> -> memref<1x2048xi32, #tpu.memory_space<hbm>>
        %dma_start3A_10 = tpu.memref_squeeze %dma_start3A_9 : memref<1x2048xi32, #tpu.memory_space<hbm>> -> memref<2048xi32, #tpu.memory_space<hbm>>
        %dma_start3A_11 = arith.constant 0 : i32
        %dma_start3A_12 = tpu.memref_slice %arg2[%arg1, %dma_start3A_11] : memref<16x2048xi32, #tpu.memory_space<hbm>> -> memref<1x2048xi32, #tpu.memory_space<hbm>>
        %dma_start3A_13 = tpu.memref_squeeze %dma_start3A_12 : memref<1x2048xi32, #tpu.memory_space<hbm>> -> memref<2048xi32, #tpu.memory_space<hbm>>
        tpu.enqueue_dma source(%dma_start3A_13 : memref<2048xi32, #tpu.memory_space<hbm>>) target(%arg11 : memref<2048xi32, #tpu.memory_space<vmem>>) target_semaphore(%run_scoped3A : memref<!tpu.dma_semaphore, #tpu.memory_space<semaphore_mem>>)
        %dma_wait3A = arith.constant 0 : i32
        %dma_wait3A_14 = tpu.memref_slice %arg2[%arg1, %dma_wait3A] : memref<16x2048xi32, #tpu.memory_space<hbm>> -> memref<1x2048xi32, #tpu.memory_space<hbm>>
        %dma_wait3A_15 = tpu.memref_squeeze %dma_wait3A_14 : memref<1x2048xi32, #tpu.memory_space<hbm>> -> memref<2048xi32, #tpu.memory_space<hbm>>
        %dma_wait3A_16 = arith.constant 0 : i32
        %dma_wait3A_17 = tpu.memref_slice %arg2[%arg1, %dma_wait3A_16] : memref<16x2048xi32, #tpu.memory_space<hbm>> -> memref<1x2048xi32, #tpu.memory_space<hbm>>
        %dma_wait3A_18 = tpu.memref_squeeze %dma_wait3A_17 : memref<1x2048xi32, #tpu.memory_space<hbm>> -> memref<2048xi32, #tpu.memory_space<hbm>>
        tpu.wait_dma2 semaphore(%run_scoped3A : memref<!tpu.dma_semaphore, #tpu.memory_space<semaphore_mem>>) src(%dma_wait3A_18 : memref<2048xi32, #tpu.memory_space<hbm>>) dst(%arg11 : memref<2048xi32, #tpu.memory_space<vmem>>)
        tpu.yield
      }) : () -> ()
      "tpu.region"() ({
        %run_scoped3A = tpu.sem_alloc : memref<!tpu.dma_semaphore, #tpu.memory_space<semaphore_mem>>
        %dma_start3A = arith.constant 0 : i32
        %dma_start3A_9 = tpu.memref_slice %arg3[%arg1, %dma_start3A] : memref<16x2048xi32, #tpu.memory_space<hbm>> -> memref<1x2048xi32, #tpu.memory_space<hbm>>
        %dma_start3A_10 = tpu.memref_squeeze %dma_start3A_9 : memref<1x2048xi32, #tpu.memory_space<hbm>> -> memref<2048xi32, #tpu.memory_space<hbm>>
        %dma_start3A_11 = arith.constant 0 : i32
        %dma_start3A_12 = tpu.memref_slice %arg3[%arg1, %dma_start3A_11] : memref<16x2048xi32, #tpu.memory_space<hbm>> -> memref<1x2048xi32, #tpu.memory_space<hbm>>
        %dma_start3A_13 = tpu.memref_squeeze %dma_start3A_12 : memref<1x2048xi32, #tpu.memory_space<hbm>> -> memref<2048xi32, #tpu.memory_space<hbm>>
        tpu.enqueue_dma source(%dma_start3A_13 : memref<2048xi32, #tpu.memory_space<hbm>>) target(%arg12 : memref<2048xi32, #tpu.memory_space<vmem>>) target_semaphore(%run_scoped3A : memref<!tpu.dma_semaphore, #tpu.memory_space<semaphore_mem>>)
        %dma_wait3A = arith.constant 0 : i32
        %dma_wait3A_14 = tpu.memref_slice %arg3[%arg1, %dma_wait3A] : memref<16x2048xi32, #tpu.memory_space<hbm>> -> memref<1x2048xi32, #tpu.memory_space<hbm>>
        %dma_wait3A_15 = tpu.memref_squeeze %dma_wait3A_14 : memref<1x2048xi32, #tpu.memory_space<hbm>> -> memref<2048xi32, #tpu.memory_space<hbm>>
        %dma_wait3A_16 = arith.constant 0 : i32
        %dma_wait3A_17 = tpu.memref_slice %arg3[%arg1, %dma_wait3A_16] : memref<16x2048xi32, #tpu.memory_space<hbm>> -> memref<1x2048xi32, #tpu.memory_space<hbm>>
        %dma_wait3A_18 = tpu.memref_squeeze %dma_wait3A_17 : memref<1x2048xi32, #tpu.memory_space<hbm>> -> memref<2048xi32, #tpu.memory_space<hbm>>
        tpu.wait_dma2 semaphore(%run_scoped3A : memref<!tpu.dma_semaphore, #tpu.memory_space<semaphore_mem>>) src(%dma_wait3A_18 : memref<2048xi32, #tpu.memory_space<hbm>>) dst(%arg12 : memref<2048xi32, #tpu.memory_space<vmem>>)
        tpu.yield
      }) : () -> ()
      "tpu.region"() ({
        %run_scoped3A = tpu.sem_alloc : memref<!tpu.dma_semaphore, #tpu.memory_space<semaphore_mem>>
        %dma_start3A = arith.constant 0 : i32
        %dma_start3A_9 = tpu.memref_slice %arg4[%arg1, %dma_start3A] : memref<16x2048xi32, #tpu.memory_space<hbm>> -> memref<1x2048xi32, #tpu.memory_space<hbm>>
        %dma_start3A_10 = tpu.memref_squeeze %dma_start3A_9 : memref<1x2048xi32, #tpu.memory_space<hbm>> -> memref<2048xi32, #tpu.memory_space<hbm>>
        %dma_start3A_11 = arith.constant 0 : i32
        %dma_start3A_12 = tpu.memref_slice %arg4[%arg1, %dma_start3A_11] : memref<16x2048xi32, #tpu.memory_space<hbm>> -> memref<1x2048xi32, #tpu.memory_space<hbm>>
        %dma_start3A_13 = tpu.memref_squeeze %dma_start3A_12 : memref<1x2048xi32, #tpu.memory_space<hbm>> -> memref<2048xi32, #tpu.memory_space<hbm>>
        tpu.enqueue_dma source(%dma_start3A_13 : memref<2048xi32, #tpu.memory_space<hbm>>) target(%arg13 : memref<2048xi32, #tpu.memory_space<vmem>>) target_semaphore(%run_scoped3A : memref<!tpu.dma_semaphore, #tpu.memory_space<semaphore_mem>>)
        %dma_wait3A = arith.constant 0 : i32
        %dma_wait3A_14 = tpu.memref_slice %arg4[%arg1, %dma_wait3A] : memref<16x2048xi32, #tpu.memory_space<hbm>> -> memref<1x2048xi32, #tpu.memory_space<hbm>>
        %dma_wait3A_15 = tpu.memref_squeeze %dma_wait3A_14 : memref<1x2048xi32, #tpu.memory_space<hbm>> -> memref<2048xi32, #tpu.memory_space<hbm>>
        %dma_wait3A_16 = arith.constant 0 : i32
        %dma_wait3A_17 = tpu.memref_slice %arg4[%arg1, %dma_wait3A_16] : memref<16x2048xi32, #tpu.memory_space<hbm>> -> memref<1x2048xi32, #tpu.memory_space<hbm>>
        %dma_wait3A_18 = tpu.memref_squeeze %dma_wait3A_17 : memref<1x2048xi32, #tpu.memory_space<hbm>> -> memref<2048xi32, #tpu.memory_space<hbm>>
        tpu.wait_dma2 semaphore(%run_scoped3A : memref<!tpu.dma_semaphore, #tpu.memory_space<semaphore_mem>>) src(%dma_wait3A_18 : memref<2048xi32, #tpu.memory_space<hbm>>) dst(%arg13 : memref<2048xi32, #tpu.memory_space<vmem>>)
        tpu.yield
      }) : () -> ()
      "tpu.region"() ({
        %run_scoped3A = tpu.sem_alloc : memref<!tpu.dma_semaphore, #tpu.memory_space<semaphore_mem>>
        %dma_start3A = arith.constant 0 : i32
        %dma_start3A_9 = tpu.memref_slice %arg5[%arg1, %dma_start3A] : memref<16x2048xi32, #tpu.memory_space<hbm>> -> memref<1x2048xi32, #tpu.memory_space<hbm>>
        %dma_start3A_10 = tpu.memref_squeeze %dma_start3A_9 : memref<1x2048xi32, #tpu.memory_space<hbm>> -> memref<2048xi32, #tpu.memory_space<hbm>>
        %dma_start3A_11 = arith.constant 0 : i32
        %dma_start3A_12 = tpu.memref_slice %arg5[%arg1, %dma_start3A_11] : memref<16x2048xi32, #tpu.memory_space<hbm>> -> memref<1x2048xi32, #tpu.memory_space<hbm>>
        %dma_start3A_13 = tpu.memref_squeeze %dma_start3A_12 : memref<1x2048xi32, #tpu.memory_space<hbm>> -> memref<2048xi32, #tpu.memory_space<hbm>>
        tpu.enqueue_dma source(%dma_start3A_13 : memref<2048xi32, #tpu.memory_space<hbm>>) target(%arg14 : memref<2048xi32, #tpu.memory_space<vmem>>) target_semaphore(%run_scoped3A : memref<!tpu.dma_semaphore, #tpu.memory_space<semaphore_mem>>)
        %dma_wait3A = arith.constant 0 : i32
        %dma_wait3A_14 = tpu.memref_slice %arg5[%arg1, %dma_wait3A] : memref<16x2048xi32, #tpu.memory_space<hbm>> -> memref<1x2048xi32, #tpu.memory_space<hbm>>
        %dma_wait3A_15 = tpu.memref_squeeze %dma_wait3A_14 : memref<1x2048xi32, #tpu.memory_space<hbm>> -> memref<2048xi32, #tpu.memory_space<hbm>>
        %dma_wait3A_16 = arith.constant 0 : i32
        %dma_wait3A_17 = tpu.memref_slice %arg5[%arg1, %dma_wait3A_16] : memref<16x2048xi32, #tpu.memory_space<hbm>> -> memref<1x2048xi32, #tpu.memory_space<hbm>>
        %dma_wait3A_18 = tpu.memref_squeeze %dma_wait3A_17 : memref<1x2048xi32, #tpu.memory_space<hbm>> -> memref<2048xi32, #tpu.memory_space<hbm>>
        tpu.wait_dma2 semaphore(%run_scoped3A : memref<!tpu.dma_semaphore, #tpu.memory_space<semaphore_mem>>) src(%dma_wait3A_18 : memref<2048xi32, #tpu.memory_space<hbm>>) dst(%arg14 : memref<2048xi32, #tpu.memory_space<vmem>>)
        tpu.yield
      }) : () -> ()
      "tpu.region"() ({
        %run_scoped3A = tpu.sem_alloc : memref<!tpu.dma_semaphore, #tpu.memory_space<semaphore_mem>>
        %dma_start3A = arith.constant 0 : i32
        %dma_start3A_9 = tpu.memref_slice %arg6[%arg1, %dma_start3A] : memref<16x2048xi32, #tpu.memory_space<hbm>> -> memref<1x2048xi32, #tpu.memory_space<hbm>>
        %dma_start3A_10 = tpu.memref_squeeze %dma_start3A_9 : memref<1x2048xi32, #tpu.memory_space<hbm>> -> memref<2048xi32, #tpu.memory_space<hbm>>
        %dma_start3A_11 = arith.constant 0 : i32
        %dma_start3A_12 = tpu.memref_slice %arg6[%arg1, %dma_start3A_11] : memref<16x2048xi32, #tpu.memory_space<hbm>> -> memref<1x2048xi32, #tpu.memory_space<hbm>>
        %dma_start3A_13 = tpu.memref_squeeze %dma_start3A_12 : memref<1x2048xi32, #tpu.memory_space<hbm>> -> memref<2048xi32, #tpu.memory_space<hbm>>
        tpu.enqueue_dma source(%dma_start3A_13 : memref<2048xi32, #tpu.memory_space<hbm>>) target(%arg15 : memref<2048xi32, #tpu.memory_space<vmem>>) target_semaphore(%run_scoped3A : memref<!tpu.dma_semaphore, #tpu.memory_space<semaphore_mem>>)
        %dma_wait3A = arith.constant 0 : i32
        %dma_wait3A_14 = tpu.memref_slice %arg6[%arg1, %dma_wait3A] : memref<16x2048xi32, #tpu.memory_space<hbm>> -> memref<1x2048xi32, #tpu.memory_space<hbm>>
        %dma_wait3A_15 = tpu.memref_squeeze %dma_wait3A_14 : memref<1x2048xi32, #tpu.memory_space<hbm>> -> memref<2048xi32, #tpu.memory_space<hbm>>
        %dma_wait3A_16 = arith.constant 0 : i32
        %dma_wait3A_17 = tpu.memref_slice %arg6[%arg1, %dma_wait3A_16] : memref<16x2048xi32, #tpu.memory_space<hbm>> -> memref<1x2048xi32, #tpu.memory_space<hbm>>
        %dma_wait3A_18 = tpu.memref_squeeze %dma_wait3A_17 : memref<1x2048xi32, #tpu.memory_space<hbm>> -> memref<2048xi32, #tpu.memory_space<hbm>>
        tpu.wait_dma2 semaphore(%run_scoped3A : memref<!tpu.dma_semaphore, #tpu.memory_space<semaphore_mem>>) src(%dma_wait3A_18 : memref<2048xi32, #tpu.memory_space<hbm>>) dst(%arg15 : memref<2048xi32, #tpu.memory_space<vmem>>)
        tpu.yield
      }) : () -> ()
      "tpu.region"() ({
        %run_scoped3A = tpu.sem_alloc : memref<!tpu.dma_semaphore, #tpu.memory_space<semaphore_mem>>
        %dma_start3A = arith.constant 0 : i32
        %dma_start3A_9 = tpu.memref_slice %arg7[%arg1, %dma_start3A] : memref<16x2048xi32, #tpu.memory_space<hbm>> -> memref<1x2048xi32, #tpu.memory_space<hbm>>
        %dma_start3A_10 = tpu.memref_squeeze %dma_start3A_9 : memref<1x2048xi32, #tpu.memory_space<hbm>> -> memref<2048xi32, #tpu.memory_space<hbm>>
        %dma_start3A_11 = arith.constant 0 : i32
        %dma_start3A_12 = tpu.memref_slice %arg7[%arg1, %dma_start3A_11] : memref<16x2048xi32, #tpu.memory_space<hbm>> -> memref<1x2048xi32, #tpu.memory_space<hbm>>
        %dma_start3A_13 = tpu.memref_squeeze %dma_start3A_12 : memref<1x2048xi32, #tpu.memory_space<hbm>> -> memref<2048xi32, #tpu.memory_space<hbm>>
        tpu.enqueue_dma source(%dma_start3A_13 : memref<2048xi32, #tpu.memory_space<hbm>>) target(%arg16 : memref<2048xi32, #tpu.memory_space<vmem>>) target_semaphore(%run_scoped3A : memref<!tpu.dma_semaphore, #tpu.memory_space<semaphore_mem>>)
        %dma_wait3A = arith.constant 0 : i32
        %dma_wait3A_14 = tpu.memref_slice %arg7[%arg1, %dma_wait3A] : memref<16x2048xi32, #tpu.memory_space<hbm>> -> memref<1x2048xi32, #tpu.memory_space<hbm>>
        %dma_wait3A_15 = tpu.memref_squeeze %dma_wait3A_14 : memref<1x2048xi32, #tpu.memory_space<hbm>> -> memref<2048xi32, #tpu.memory_space<hbm>>
        %dma_wait3A_16 = arith.constant 0 : i32
        %dma_wait3A_17 = tpu.memref_slice %arg7[%arg1, %dma_wait3A_16] : memref<16x2048xi32, #tpu.memory_space<hbm>> -> memref<1x2048xi32, #tpu.memory_space<hbm>>
        %dma_wait3A_18 = tpu.memref_squeeze %dma_wait3A_17 : memref<1x2048xi32, #tpu.memory_space<hbm>> -> memref<2048xi32, #tpu.memory_space<hbm>>
        tpu.wait_dma2 semaphore(%run_scoped3A : memref<!tpu.dma_semaphore, #tpu.memory_space<semaphore_mem>>) src(%dma_wait3A_18 : memref<2048xi32, #tpu.memory_space<hbm>>) dst(%arg16 : memref<2048xi32, #tpu.memory_space<vmem>>)
        tpu.yield
      }) : () -> ()
      "tpu.region"() ({
        %run_scoped3A = tpu.sem_alloc : memref<!tpu.dma_semaphore, #tpu.memory_space<semaphore_mem>>
        tpu.enqueue_dma source(%arg8 : memref<16xi32, #tpu.memory_space<hbm>>) target(%arg17 : memref<16xi32, #tpu.memory_space<vmem>>) target_semaphore(%run_scoped3A : memref<!tpu.dma_semaphore, #tpu.memory_space<semaphore_mem>>)
        tpu.wait_dma2 semaphore(%run_scoped3A : memref<!tpu.dma_semaphore, #tpu.memory_space<semaphore_mem>>) src(%arg8 : memref<16xi32, #tpu.memory_space<hbm>>) dst(%arg17 : memref<16xi32, #tpu.memory_space<vmem>>)
        tpu.yield
      }) : () -> ()
      %get3A = arith.constant 0 : index
      %get3A_3 = tpu.vector_load %arg17[%get3A] {strides = array<i32>} : memref<16xi32, #tpu.memory_space<vmem>>, vector<16xi32>,
      %scan3A = arith.constant 0 : i32
      %scan3A_4 = arith.constant 0 : i32
      %scan3A_5 = arith.constant 32 : i32
      %scan3A_6 = arith.addi %scan3A_4, %scan3A_5 : i32
      %scan3A_7 = arith.constant 1 : i32
      scf.for %scan3A_9 = %scan3A_4 to %scan3A_6 step %scan3A_7  : i32 {
        %mul3A = arith.constant 4 : i32
        %mul3A_10 = arith.muli %scan3A_9, %mul3A : i32
        %add3A = arith.constant 0 : i32
        %add3A_11 = arith.addi %mul3A_10, %add3A : i32
        %mul3A_12 = arith.constant 16 : i32
        %mul3A_13 = arith.muli %add3A_11, %mul3A_12 : i32
        %get3A_14 = arith.index_cast %mul3A_13 : i32 to index
        %get3A_15 = tpu.vector_load %arg11[%get3A_14] {strides = array<i32>} : memref<2048xi32, #tpu.memory_space<vmem>>, vector<16xi32>,
        %get3A_16 = arith.index_cast %mul3A_13 : i32 to index
        %get3A_17 = tpu.vector_load %arg12[%get3A_16] {strides = array<i32>} : memref<2048xi32, #tpu.memory_space<vmem>>, vector<16xi32>,
        %get3A_18 = arith.index_cast %mul3A_13 : i32 to index
        %get3A_19 = tpu.vector_load %arg13[%get3A_18] {strides = array<i32>} : memref<2048xi32, #tpu.memory_space<vmem>>, vector<16xi32>,
        %get3A_20 = arith.index_cast %mul3A_13 : i32 to index
        %get3A_21 = tpu.vector_load %arg14[%get3A_20] {strides = array<i32>} : memref<2048xi32, #tpu.memory_space<vmem>>, vector<16xi32>,
        %iota3A = tpu.iota {dimensions = array<i32: 0>} : vector<16xi32>
        %mul3A_22 = arith.constant 16 : i32
        %mul3A_23 = arith.muli %add3A_11, %mul3A_22 : i32
        %add3A_24 = vector.broadcast %mul3A_23 : i32 to vector<16xi32>
        %add3A_25 = arith.addi %iota3A, %add3A_24 : vector<16xi32>
        %ne3A = arith.cmpi ne, %get3A_15, %get3A_17 : vector<16xi32>
        %lt3A_26 = arith.constant 2047 : i32
        %lt3A_27 = vector.broadcast %lt3A_26 : i32 to vector<16xi32>
        %lt3A_28 = arith.cmpi slt, %add3A_25, %lt3A_27 : vector<16xi32>
        %and3A_29 = arith.andi %ne3A, %lt3A_28 : vector<16xi1>
        %ne3A_30 = arith.constant -100 : i32
        %ne3A_31 = vector.broadcast %ne3A_30 : i32 to vector<16xi32>
        %ne3A_32 = arith.cmpi ne, %get3A_17, %ne3A_31 : vector<16xi32>
        %and3A_33 = arith.andi %and3A_29, %ne3A_32 : vector<16xi1>
        %add3A_34 = arith.constant 1 : i32
        %add3A_35 = vector.broadcast %add3A_34 : i32 to vector<16xi32>
        %add3A_36 = arith.addi %get3A_3, %add3A_35 : vector<16xi32>
        %select_n3A = arith.select %and3A_33, %add3A_36, %get3A_3 : vector<16xi1>, vector<16xi32>
        %min3A = arith.constant 3 : i32
        %min3A_37 = vector.broadcast %min3A : i32 to vector<16xi32>
        %min3A_38 = arith.minsi %select_n3A, %min3A_37 : vector<16xi32>
        %eq3A_39 = arith.constant 1 : i32
        %eq3A_40 = vector.broadcast %eq3A_39 : i32 to vector<16xi32>
        %eq3A_41 = arith.cmpi eq, %get3A_19, %eq3A_40 : vector<16xi32>
        %jit3A = arith.constant -100 : i32
        %broadcast_in_dim3A = vector.broadcast %jit3A : i32 to vector<16xi32>
        %select_n3A_42 = arith.select %eq3A_41, %min3A_38, %broadcast_in_dim3A : vector<16xi1>, vector<16xi32>
        %swap3A = arith.index_cast %mul3A_13 : i32 to index
        %swap3A_43 = tpu.vector_load %arg18[%swap3A] {strides = array<i32>} : memref<2048xi32, #tpu.memory_space<vmem>>, vector<16xi32>,
        tpu.vector_store %arg18[%swap3A], %select_n3A_42 {strides = array<i32>} : memref<2048xi32, #tpu.memory_space<vmem>>, vector<16xi32>,
        %eq3A_44 = arith.constant -100 : i32
        %eq3A_45 = vector.broadcast %eq3A_44 : i32 to vector<16xi32>
        %eq3A_46 = arith.cmpi eq, %select_n3A_42, %eq3A_45 : vector<16xi32>
        %jit3A_47 = arith.constant 0 : i32
        %broadcast_in_dim3A_48 = vector.broadcast %jit3A_47 : i32 to vector<16xi32>
        %select_n3A_49 = arith.select %eq3A_46, %broadcast_in_dim3A_48, %select_n3A_42 : vector<16xi1>, vector<16xi32>
        %swap3A_50 = arith.index_cast %mul3A_13 : i32 to index
        %swap3A_51 = tpu.vector_load %arg19[%swap3A_50] {strides = array<i32>} : memref<2048xi32, #tpu.memory_space<vmem>>, vector<16xi32>,
        tpu.vector_store %arg19[%swap3A_50], %select_n3A_49 {strides = array<i32>} : memref<2048xi32, #tpu.memory_space<vmem>>, vector<16xi32>,
        %get3A_52 = arith.index_cast %mul3A_13 : i32 to index
        %get3A_53 = tpu.vector_load %arg16[%get3A_52] {strides = array<i32>} : memref<2048xi32, #tpu.memory_space<vmem>>, vector<16xi32>,
        %gather3A = tpu.vector_load_idx %arg19[%get3A_53] : memref<2048xi32, #tpu.memory_space<vmem>>[vector<16xi32>], vector<16xi32>,
        %get3A_54 = arith.index_cast %mul3A_13 : i32 to index
        %get3A_55 = tpu.vector_load %arg15[%get3A_54] {strides = array<i32>} : memref<2048xi32, #tpu.memory_space<vmem>>, vector<16xi32>,
        %ne3A_56 = arith.constant 0 : i32
        %ne3A_57 = vector.broadcast %ne3A_56 : i32 to vector<16xi32>
        %ne3A_58 = arith.cmpi ne, %get3A_21, %ne3A_57 : vector<16xi32>
        %jit3A_59 = arith.constant 0 : i32
        %broadcast_in_dim3A_60 = vector.broadcast %jit3A_59 : i32 to vector<16xi32>
        %select_n3A_61 = arith.select %ne3A_58, %gather3A, %broadcast_in_dim3A_60 : vector<16xi1>, vector<16xi32>
        %max3A = arith.maxsi %get3A_55, %select_n3A_61 : vector<16xi32>
        %swap3A_62 = arith.index_cast %mul3A_13 : i32 to index
        %swap3A_63 = tpu.vector_load %arg20[%swap3A_62] {strides = array<i32>} : memref<2048xi32, #tpu.memory_space<vmem>>, vector<16xi32>,
        tpu.vector_store %arg20[%swap3A_62], %max3A {strides = array<i32>} : memref<2048xi32, #tpu.memory_space<vmem>>, vector<16xi32>,
        %mul3A_64 = arith.constant 4 : i32
        %mul3A_65 = arith.muli %scan3A_9, %mul3A_64 : i32
        %add3A_66 = arith.constant 1 : i32
        %add3A_67 = arith.addi %mul3A_65, %add3A_66 : i32
        %mul3A_68 = arith.constant 16 : i32
        %mul3A_69 = arith.muli %add3A_67, %mul3A_68 : i32
        %get3A_70 = arith.index_cast %mul3A_69 : i32 to index
        %get3A_71 = tpu.vector_load %arg11[%get3A_70] {strides = array<i32>} : memref<2048xi32, #tpu.memory_space<vmem>>, vector<16xi32>,
        %get3A_72 = arith.index_cast %mul3A_69 : i32 to index
        %get3A_73 = tpu.vector_load %arg12[%get3A_72] {strides = array<i32>} : memref<2048xi32, #tpu.memory_space<vmem>>, vector<16xi32>,
        %get3A_74 = arith.index_cast %mul3A_69 : i32 to index
        %get3A_75 = tpu.vector_load %arg13[%get3A_74] {strides = array<i32>} : memref<2048xi32, #tpu.memory_space<vmem>>, vector<16xi32>,
        %get3A_76 = arith.index_cast %mul3A_69 : i32 to index
        %get3A_77 = tpu.vector_load %arg14[%get3A_76] {strides = array<i32>} : memref<2048xi32, #tpu.memory_space<vmem>>, vector<16xi32>,
        %iota3A_78 = tpu.iota {dimensions = array<i32: 0>} : vector<16xi32>
        %mul3A_79 = arith.constant 16 : i32
        %mul3A_80 = arith.muli %add3A_67, %mul3A_79 : i32
        %add3A_81 = vector.broadcast %mul3A_80 : i32 to vector<16xi32>
        %add3A_82 = arith.addi %iota3A_78, %add3A_81 : vector<16xi32>
        %ne3A_83 = arith.cmpi ne, %get3A_71, %get3A_73 : vector<16xi32>
        %lt3A_84 = arith.constant 2047 : i32
        %lt3A_85 = vector.broadcast %lt3A_84 : i32 to vector<16xi32>
        %lt3A_86 = arith.cmpi slt, %add3A_82, %lt3A_85 : vector<16xi32>
        %and3A_87 = arith.andi %ne3A_83, %lt3A_86 : vector<16xi1>
        %ne3A_88 = arith.constant -100 : i32
        %ne3A_89 = vector.broadcast %ne3A_88 : i32 to vector<16xi32>
        %ne3A_90 = arith.cmpi ne, %get3A_73, %ne3A_89 : vector<16xi32>
        %and3A_91 = arith.andi %and3A_87, %ne3A_90 : vector<16xi1>
        %add3A_92 = arith.constant 1 : i32
        %add3A_93 = vector.broadcast %add3A_92 : i32 to vector<16xi32>
        %add3A_94 = arith.addi %get3A_3, %add3A_93 : vector<16xi32>
        %select_n3A_95 = arith.select %and3A_91, %add3A_94, %get3A_3 : vector<16xi1>, vector<16xi32>
        %min3A_96 = arith.constant 3 : i32
        %min3A_97 = vector.broadcast %min3A_96 : i32 to vector<16xi32>
        %min3A_98 = arith.minsi %select_n3A_95, %min3A_97 : vector<16xi32>
        %eq3A_99 = arith.constant 1 : i32
        %eq3A_100 = vector.broadcast %eq3A_99 : i32 to vector<16xi32>
        %eq3A_101 = arith.cmpi eq, %get3A_75, %eq3A_100 : vector<16xi32>
        %jit3A_102 = arith.constant -100 : i32
        %broadcast_in_dim3A_103 = vector.broadcast %jit3A_102 : i32 to vector<16xi32>
        %select_n3A_104 = arith.select %eq3A_101, %min3A_98, %broadcast_in_dim3A_103 : vector<16xi1>, vector<16xi32>
        %swap3A_105 = arith.index_cast %mul3A_69 : i32 to index
        %swap3A_106 = tpu.vector_load %arg18[%swap3A_105] {strides = array<i32>} : memref<2048xi32, #tpu.memory_space<vmem>>, vector<16xi32>,
        tpu.vector_store %arg18[%swap3A_105], %select_n3A_104 {strides = array<i32>} : memref<2048xi32, #tpu.memory_space<vmem>>, vector<16xi32>,
        %eq3A_107 = arith.constant -100 : i32
        %eq3A_108 = vector.broadcast %eq3A_107 : i32 to vector<16xi32>
        %eq3A_109 = arith.cmpi eq, %select_n3A_104, %eq3A_108 : vector<16xi32>
        %jit3A_110 = arith.constant 0 : i32
        %broadcast_in_dim3A_111 = vector.broadcast %jit3A_110 : i32 to vector<16xi32>
        %select_n3A_112 = arith.select %eq3A_109, %broadcast_in_dim3A_111, %select_n3A_104 : vector<16xi1>, vector<16xi32>
        %swap3A_113 = arith.index_cast %mul3A_69 : i32 to index
        %swap3A_114 = tpu.vector_load %arg19[%swap3A_113] {strides = array<i32>} : memref<2048xi32, #tpu.memory_space<vmem>>, vector<16xi32>,
        tpu.vector_store %arg19[%swap3A_113], %select_n3A_112 {strides = array<i32>} : memref<2048xi32, #tpu.memory_space<vmem>>, vector<16xi32>,
        %get3A_115 = arith.index_cast %mul3A_69 : i32 to index
        %get3A_116 = tpu.vector_load %arg16[%get3A_115] {strides = array<i32>} : memref<2048xi32, #tpu.memory_space<vmem>>, vector<16xi32>,
        %gather3A_117 = tpu.vector_load_idx %arg19[%get3A_116] : memref<2048xi32, #tpu.memory_space<vmem>>[vector<16xi32>], vector<16xi32>,
        %get3A_118 = arith.index_cast %mul3A_69 : i32 to index
        %get3A_119 = tpu.vector_load %arg15[%get3A_118] {strides = array<i32>} : memref<2048xi32, #tpu.memory_space<vmem>>, vector<16xi32>,
        %ne3A_120 = arith.constant 0 : i32
        %ne3A_121 = vector.broadcast %ne3A_120 : i32 to vector<16xi32>
        %ne3A_122 = arith.cmpi ne, %get3A_77, %ne3A_121 : vector<16xi32>
        %jit3A_123 = arith.constant 0 : i32
        %broadcast_in_dim3A_124 = vector.broadcast %jit3A_123 : i32 to vector<16xi32>
        %select_n3A_125 = arith.select %ne3A_122, %gather3A_117, %broadcast_in_dim3A_124 : vector<16xi1>, vector<16xi32>
        %max3A_126 = arith.maxsi %get3A_119, %select_n3A_125 : vector<16xi32>
        %swap3A_127 = arith.index_cast %mul3A_69 : i32 to index
        %swap3A_128 = tpu.vector_load %arg20[%swap3A_127] {strides = array<i32>} : memref<2048xi32, #tpu.memory_space<vmem>>, vector<16xi32>,
        tpu.vector_store %arg20[%swap3A_127], %max3A_126 {strides = array<i32>} : memref<2048xi32, #tpu.memory_space<vmem>>, vector<16xi32>,
        %mul3A_129 = arith.constant 4 : i32
        %mul3A_130 = arith.muli %scan3A_9, %mul3A_129 : i32
        %add3A_131 = arith.constant 2 : i32
        %add3A_132 = arith.addi %mul3A_130, %add3A_131 : i32
        %mul3A_133 = arith.constant 16 : i32
        %mul3A_134 = arith.muli %add3A_132, %mul3A_133 : i32
        %get3A_135 = arith.index_cast %mul3A_134 : i32 to index
        %get3A_136 = tpu.vector_load %arg11[%get3A_135] {strides = array<i32>} : memref<2048xi32, #tpu.memory_space<vmem>>, vector<16xi32>,
        %get3A_137 = arith.index_cast %mul3A_134 : i32 to index
        %get3A_138 = tpu.vector_load %arg12[%get3A_137] {strides = array<i32>} : memref<2048xi32, #tpu.memory_space<vmem>>, vector<16xi32>,
        %get3A_139 = arith.index_cast %mul3A_134 : i32 to index
        %get3A_140 = tpu.vector_load %arg13[%get3A_139] {strides = array<i32>} : memref<2048xi32, #tpu.memory_space<vmem>>, vector<16xi32>,
        %get3A_141 = arith.index_cast %mul3A_134 : i32 to index
        %get3A_142 = tpu.vector_load %arg14[%get3A_141] {strides = array<i32>} : memref<2048xi32, #tpu.memory_space<vmem>>, vector<16xi32>,
        %iota3A_143 = tpu.iota {dimensions = array<i32: 0>} : vector<16xi32>
        %mul3A_144 = arith.constant 16 : i32
        %mul3A_145 = arith.muli %add3A_132, %mul3A_144 : i32
        %add3A_146 = vector.broadcast %mul3A_145 : i32 to vector<16xi32>
        %add3A_147 = arith.addi %iota3A_143, %add3A_146 : vector<16xi32>
        %ne3A_148 = arith.cmpi ne, %get3A_136, %get3A_138 : vector<16xi32>
        %lt3A_149 = arith.constant 2047 : i32
        %lt3A_150 = vector.broadcast %lt3A_149 : i32 to vector<16xi32>
        %lt3A_151 = arith.cmpi slt, %add3A_147, %lt3A_150 : vector<16xi32>
        %and3A_152 = arith.andi %ne3A_148, %lt3A_151 : vector<16xi1>
        %ne3A_153 = arith.constant -100 : i32
        %ne3A_154 = vector.broadcast %ne3A_153 : i32 to vector<16xi32>
        %ne3A_155 = arith.cmpi ne, %get3A_138, %ne3A_154 : vector<16xi32>
        %and3A_156 = arith.andi %and3A_152, %ne3A_155 : vector<16xi1>
        %add3A_157 = arith.constant 1 : i32
        %add3A_158 = vector.broadcast %add3A_157 : i32 to vector<16xi32>
        %add3A_159 = arith.addi %get3A_3, %add3A_158 : vector<16xi32>
        %select_n3A_160 = arith.select %and3A_156, %add3A_159, %get3A_3 : vector<16xi1>, vector<16xi32>
        %min3A_161 = arith.constant 3 : i32
        %min3A_162 = vector.broadcast %min3A_161 : i32 to vector<16xi32>
        %min3A_163 = arith.minsi %select_n3A_160, %min3A_162 : vector<16xi32>
        %eq3A_164 = arith.constant 1 : i32
        %eq3A_165 = vector.broadcast %eq3A_164 : i32 to vector<16xi32>
        %eq3A_166 = arith.cmpi eq, %get3A_140, %eq3A_165 : vector<16xi32>
        %jit3A_167 = arith.constant -100 : i32
        %broadcast_in_dim3A_168 = vector.broadcast %jit3A_167 : i32 to vector<16xi32>
        %select_n3A_169 = arith.select %eq3A_166, %min3A_163, %broadcast_in_dim3A_168 : vector<16xi1>, vector<16xi32>
        %swap3A_170 = arith.index_cast %mul3A_134 : i32 to index
        %swap3A_171 = tpu.vector_load %arg18[%swap3A_170] {strides = array<i32>} : memref<2048xi32, #tpu.memory_space<vmem>>, vector<16xi32>,
        tpu.vector_store %arg18[%swap3A_170], %select_n3A_169 {strides = array<i32>} : memref<2048xi32, #tpu.memory_space<vmem>>, vector<16xi32>,
        %eq3A_172 = arith.constant -100 : i32
        %eq3A_173 = vector.broadcast %eq3A_172 : i32 to vector<16xi32>
        %eq3A_174 = arith.cmpi eq, %select_n3A_169, %eq3A_173 : vector<16xi32>
        %jit3A_175 = arith.constant 0 : i32
        %broadcast_in_dim3A_176 = vector.broadcast %jit3A_175 : i32 to vector<16xi32>
        %select_n3A_177 = arith.select %eq3A_174, %broadcast_in_dim3A_176, %select_n3A_169 : vector<16xi1>, vector<16xi32>
        %swap3A_178 = arith.index_cast %mul3A_134 : i32 to index
        %swap3A_179 = tpu.vector_load %arg19[%swap3A_178] {strides = array<i32>} : memref<2048xi32, #tpu.memory_space<vmem>>, vector<16xi32>,
        tpu.vector_store %arg19[%swap3A_178], %select_n3A_177 {strides = array<i32>} : memref<2048xi32, #tpu.memory_space<vmem>>, vector<16xi32>,
        %get3A_180 = arith.index_cast %mul3A_134 : i32 to index
        %get3A_181 = tpu.vector_load %arg16[%get3A_180] {strides = array<i32>} : memref<2048xi32, #tpu.memory_space<vmem>>, vector<16xi32>,
        %gather3A_182 = tpu.vector_load_idx %arg19[%get3A_181] : memref<2048xi32, #tpu.memory_space<vmem>>[vector<16xi32>], vector<16xi32>,
        %get3A_183 = arith.index_cast %mul3A_134 : i32 to index
        %get3A_184 = tpu.vector_load %arg15[%get3A_183] {strides = array<i32>} : memref<2048xi32, #tpu.memory_space<vmem>>, vector<16xi32>,
        %ne3A_185 = arith.constant 0 : i32
        %ne3A_186 = vector.broadcast %ne3A_185 : i32 to vector<16xi32>
        %ne3A_187 = arith.cmpi ne, %get3A_142, %ne3A_186 : vector<16xi32>
        %jit3A_188 = arith.constant 0 : i32
        %broadcast_in_dim3A_189 = vector.broadcast %jit3A_188 : i32 to vector<16xi32>
        %select_n3A_190 = arith.select %ne3A_187, %gather3A_182, %broadcast_in_dim3A_189 : vector<16xi1>, vector<16xi32>
        %max3A_191 = arith.maxsi %get3A_184, %select_n3A_190 : vector<16xi32>
        %swap3A_192 = arith.index_cast %mul3A_134 : i32 to index
        %swap3A_193 = tpu.vector_load %arg20[%swap3A_192] {strides = array<i32>} : memref<2048xi32, #tpu.memory_space<vmem>>, vector<16xi32>,
        tpu.vector_store %arg20[%swap3A_192], %max3A_191 {strides = array<i32>} : memref<2048xi32, #tpu.memory_space<vmem>>, vector<16xi32>,
        %mul3A_194 = arith.constant 4 : i32
        %mul3A_195 = arith.muli %scan3A_9, %mul3A_194 : i32
        %add3A_196 = arith.constant 3 : i32
        %add3A_197 = arith.addi %mul3A_195, %add3A_196 : i32
        %mul3A_198 = arith.constant 16 : i32
        %mul3A_199 = arith.muli %add3A_197, %mul3A_198 : i32
        %get3A_200 = arith.index_cast %mul3A_199 : i32 to index
        %get3A_201 = tpu.vector_load %arg11[%get3A_200] {strides = array<i32>} : memref<2048xi32, #tpu.memory_space<vmem>>, vector<16xi32>,
        %get3A_202 = arith.index_cast %mul3A_199 : i32 to index
        %get3A_203 = tpu.vector_load %arg12[%get3A_202] {strides = array<i32>} : memref<2048xi32, #tpu.memory_space<vmem>>, vector<16xi32>,
        %get3A_204 = arith.index_cast %mul3A_199 : i32 to index
        %get3A_205 = tpu.vector_load %arg13[%get3A_204] {strides = array<i32>} : memref<2048xi32, #tpu.memory_space<vmem>>, vector<16xi32>,
        %get3A_206 = arith.index_cast %mul3A_199 : i32 to index
        %get3A_207 = tpu.vector_load %arg14[%get3A_206] {strides = array<i32>} : memref<2048xi32, #tpu.memory_space<vmem>>, vector<16xi32>,
        %iota3A_208 = tpu.iota {dimensions = array<i32: 0>} : vector<16xi32>
        %mul3A_209 = arith.constant 16 : i32
        %mul3A_210 = arith.muli %add3A_197, %mul3A_209 : i32
        %add3A_211 = vector.broadcast %mul3A_210 : i32 to vector<16xi32>
        %add3A_212 = arith.addi %iota3A_208, %add3A_211 : vector<16xi32>
        %ne3A_213 = arith.cmpi ne, %get3A_201, %get3A_203 : vector<16xi32>
        %lt3A_214 = arith.constant 2047 : i32
        %lt3A_215 = vector.broadcast %lt3A_214 : i32 to vector<16xi32>
        %lt3A_216 = arith.cmpi slt, %add3A_212, %lt3A_215 : vector<16xi32>
        %and3A_217 = arith.andi %ne3A_213, %lt3A_216 : vector<16xi1>
        %ne3A_218 = arith.constant -100 : i32
        %ne3A_219 = vector.broadcast %ne3A_218 : i32 to vector<16xi32>
        %ne3A_220 = arith.cmpi ne, %get3A_203, %ne3A_219 : vector<16xi32>
        %and3A_221 = arith.andi %and3A_217, %ne3A_220 : vector<16xi1>
        %add3A_222 = arith.constant 1 : i32
        %add3A_223 = vector.broadcast %add3A_222 : i32 to vector<16xi32>
        %add3A_224 = arith.addi %get3A_3, %add3A_223 : vector<16xi32>
        %select_n3A_225 = arith.select %and3A_221, %add3A_224, %get3A_3 : vector<16xi1>, vector<16xi32>
        %min3A_226 = arith.constant 3 : i32
        %min3A_227 = vector.broadcast %min3A_226 : i32 to vector<16xi32>
        %min3A_228 = arith.minsi %select_n3A_225, %min3A_227 : vector<16xi32>
        %eq3A_229 = arith.constant 1 : i32
        %eq3A_230 = vector.broadcast %eq3A_229 : i32 to vector<16xi32>
        %eq3A_231 = arith.cmpi eq, %get3A_205, %eq3A_230 : vector<16xi32>
        %jit3A_232 = arith.constant -100 : i32
        %broadcast_in_dim3A_233 = vector.broadcast %jit3A_232 : i32 to vector<16xi32>
        %select_n3A_234 = arith.select %eq3A_231, %min3A_228, %broadcast_in_dim3A_233 : vector<16xi1>, vector<16xi32>
        %swap3A_235 = arith.index_cast %mul3A_199 : i32 to index
        %swap3A_236 = tpu.vector_load %arg18[%swap3A_235] {strides = array<i32>} : memref<2048xi32, #tpu.memory_space<vmem>>, vector<16xi32>,
        tpu.vector_store %arg18[%swap3A_235], %select_n3A_234 {strides = array<i32>} : memref<2048xi32, #tpu.memory_space<vmem>>, vector<16xi32>,
        %eq3A_237 = arith.constant -100 : i32
        %eq3A_238 = vector.broadcast %eq3A_237 : i32 to vector<16xi32>
        %eq3A_239 = arith.cmpi eq, %select_n3A_234, %eq3A_238 : vector<16xi32>
        %jit3A_240 = arith.constant 0 : i32
        %broadcast_in_dim3A_241 = vector.broadcast %jit3A_240 : i32 to vector<16xi32>
        %select_n3A_242 = arith.select %eq3A_239, %broadcast_in_dim3A_241, %select_n3A_234 : vector<16xi1>, vector<16xi32>
        %swap3A_243 = arith.index_cast %mul3A_199 : i32 to index
        %swap3A_244 = tpu.vector_load %arg19[%swap3A_243] {strides = array<i32>} : memref<2048xi32, #tpu.memory_space<vmem>>, vector<16xi32>,
        tpu.vector_store %arg19[%swap3A_243], %select_n3A_242 {strides = array<i32>} : memref<2048xi32, #tpu.memory_space<vmem>>, vector<16xi32>,
        %get3A_245 = arith.index_cast %mul3A_199 : i32 to index
        %get3A_246 = tpu.vector_load %arg16[%get3A_245] {strides = array<i32>} : memref<2048xi32, #tpu.memory_space<vmem>>, vector<16xi32>,
        %gather3A_247 = tpu.vector_load_idx %arg19[%get3A_246] : memref<2048xi32, #tpu.memory_space<vmem>>[vector<16xi32>], vector<16xi32>,
        %get3A_248 = arith.index_cast %mul3A_199 : i32 to index
        %get3A_249 = tpu.vector_load %arg15[%get3A_248] {strides = array<i32>} : memref<2048xi32, #tpu.memory_space<vmem>>, vector<16xi32>,
        %ne3A_250 = arith.constant 0 : i32
        %ne3A_251 = vector.broadcast %ne3A_250 : i32 to vector<16xi32>
        %ne3A_252 = arith.cmpi ne, %get3A_207, %ne3A_251 : vector<16xi32>
        %jit3A_253 = arith.constant 0 : i32
        %broadcast_in_dim3A_254 = vector.broadcast %jit3A_253 : i32 to vector<16xi32>
        %select_n3A_255 = arith.select %ne3A_252, %gather3A_247, %broadcast_in_dim3A_254 : vector<16xi1>, vector<16xi32>
        %max3A_256 = arith.maxsi %get3A_249, %select_n3A_255 : vector<16xi32>
        %swap3A_257 = arith.index_cast %mul3A_199 : i32 to index
        %swap3A_258 = tpu.vector_load %arg20[%swap3A_257] {strides = array<i32>} : memref<2048xi32, #tpu.memory_space<vmem>>, vector<16xi32>,
        tpu.vector_store %arg20[%swap3A_257], %max3A_256 {strides = array<i32>} : memref<2048xi32, #tpu.memory_space<vmem>>, vector<16xi32>,
      }
      %scan3A_8 = arith.constant 32 : i32
      "tpu.region"() ({
        %run_scoped3A = tpu.sem_alloc : memref<!tpu.dma_semaphore, #tpu.memory_space<semaphore_mem>>
        %dma_start3A = arith.constant 0 : i32
        %dma_start3A_9 = tpu.memref_slice %arg9[%arg1, %dma_start3A] : memref<16x2048xi32, #tpu.memory_space<hbm>> -> memref<1x2048xi32, #tpu.memory_space<hbm>>
        %dma_start3A_10 = tpu.memref_squeeze %dma_start3A_9 : memref<1x2048xi32, #tpu.memory_space<hbm>> -> memref<2048xi32, #tpu.memory_space<hbm>>
        %dma_start3A_11 = arith.constant 0 : i32
        %dma_start3A_12 = tpu.memref_slice %arg9[%arg1, %dma_start3A_11] : memref<16x2048xi32, #tpu.memory_space<hbm>> -> memref<1x2048xi32, #tpu.memory_space<hbm>>
        %dma_start3A_13 = tpu.memref_squeeze %dma_start3A_12 : memref<1x2048xi32, #tpu.memory_space<hbm>> -> memref<2048xi32, #tpu.memory_space<hbm>>
        tpu.enqueue_dma source(%arg18 : memref<2048xi32, #tpu.memory_space<vmem>>) target(%dma_start3A_13 : memref<2048xi32, #tpu.memory_space<hbm>>) target_semaphore(%run_scoped3A : memref<!tpu.dma_semaphore, #tpu.memory_space<semaphore_mem>>)
        %dma_wait3A = arith.constant 0 : i32
        %dma_wait3A_14 = tpu.memref_slice %arg9[%arg1, %dma_wait3A] : memref<16x2048xi32, #tpu.memory_space<hbm>> -> memref<1x2048xi32, #tpu.memory_space<hbm>>
        %dma_wait3A_15 = tpu.memref_squeeze %dma_wait3A_14 : memref<1x2048xi32, #tpu.memory_space<hbm>> -> memref<2048xi32, #tpu.memory_space<hbm>>
        %dma_wait3A_16 = arith.constant 0 : i32
        %dma_wait3A_17 = tpu.memref_slice %arg9[%arg1, %dma_wait3A_16] : memref<16x2048xi32, #tpu.memory_space<hbm>> -> memref<1x2048xi32, #tpu.memory_space<hbm>>
        %dma_wait3A_18 = tpu.memref_squeeze %dma_wait3A_17 : memref<1x2048xi32, #tpu.memory_space<hbm>> -> memref<2048xi32, #tpu.memory_space<hbm>>
        tpu.wait_dma2 semaphore(%run_scoped3A : memref<!tpu.dma_semaphore, #tpu.memory_space<semaphore_mem>>) src(%arg18 : memref<2048xi32, #tpu.memory_space<vmem>>) dst(%dma_wait3A_18 : memref<2048xi32, #tpu.memory_space<hbm>>)
        tpu.yield
      }) : () -> ()
      "tpu.region"() ({
        %run_scoped3A = tpu.sem_alloc : memref<!tpu.dma_semaphore, #tpu.memory_space<semaphore_mem>>
        %dma_start3A = arith.constant 0 : i32
        %dma_start3A_9 = tpu.memref_slice %arg10[%arg1, %dma_start3A] : memref<16x2048xi32, #tpu.memory_space<hbm>> -> memref<1x2048xi32, #tpu.memory_space<hbm>>
        %dma_start3A_10 = tpu.memref_squeeze %dma_start3A_9 : memref<1x2048xi32, #tpu.memory_space<hbm>> -> memref<2048xi32, #tpu.memory_space<hbm>>
        %dma_start3A_11 = arith.constant 0 : i32
        %dma_start3A_12 = tpu.memref_slice %arg10[%arg1, %dma_start3A_11] : memref<16x2048xi32, #tpu.memory_space<hbm>> -> memref<1x2048xi32, #tpu.memory_space<hbm>>
        %dma_start3A_13 = tpu.memref_squeeze %dma_start3A_12 : memref<1x2048xi32, #tpu.memory_space<hbm>> -> memref<2048xi32, #tpu.memory_space<hbm>>
        tpu.enqueue_dma source(%arg20 : memref<2048xi32, #tpu.memory_space<vmem>>) target(%dma_start3A_13 : memref<2048xi32, #tpu.memory_space<hbm>>) target_semaphore(%run_scoped3A : memref<!tpu.dma_semaphore, #tpu.memory_space<semaphore_mem>>)
        %dma_wait3A = arith.constant 0 : i32
        %dma_wait3A_14 = tpu.memref_slice %arg10[%arg1, %dma_wait3A] : memref<16x2048xi32, #tpu.memory_space<hbm>> -> memref<1x2048xi32, #tpu.memory_space<hbm>>
        %dma_wait3A_15 = tpu.memref_squeeze %dma_wait3A_14 : memref<1x2048xi32, #tpu.memory_space<hbm>> -> memref<2048xi32, #tpu.memory_space<hbm>>
        %dma_wait3A_16 = arith.constant 0 : i32
        %dma_wait3A_17 = tpu.memref_slice %arg10[%arg1, %dma_wait3A_16] : memref<16x2048xi32, #tpu.memory_space<hbm>> -> memref<1x2048xi32, #tpu.memory_space<hbm>>
        %dma_wait3A_18 = tpu.memref_squeeze %dma_wait3A_17 : memref<1x2048xi32, #tpu.memory_space<hbm>> -> memref<2048xi32, #tpu.memory_space<hbm>>
        tpu.wait_dma2 semaphore(%run_scoped3A : memref<!tpu.dma_semaphore, #tpu.memory_space<semaphore_mem>>) src(%arg20 : memref<2048xi32, #tpu.memory_space<vmem>>) dst(%dma_wait3A_18 : memref<2048xi32, #tpu.memory_space<hbm>>)
        tpu.yield
      }) : () -> ()
    } else {
    }
    return
  }
}

module attributes {stable_mosaic.version = 14 : i64} {
  func.func @_argmax_body(%arg0: i32, %arg1: i32, %arg2: memref<1x2048x2048xf32, #tpu.memory_space<vmem>>, %arg3: memref<1x2048x1xi32, #tpu.memory_space<vmem>>) attributes {dimension_semantics = [#tpu.dimension_semantics<arbitrary>, #tpu.dimension_semantics<arbitrary>], iteration_bounds = array<i64: 16, 1>, scalar_prefetch = 0 : i64, scratch_operands = 0 : i64, tpu.core_type = #tpu.core_type<tc>, window_params = [{transform_indices = @transform_0, window_bounds = array<i64: 1, 2048, 2048>}, {transform_indices = @transform_1, window_bounds = array<i64: 1, 2048, 1>}]} {
    %get3A = arith.constant 0 : index
    %get3A_0 = arith.constant 0 : index
    %get3A_1 = arith.constant 0 : index
    %get3A_2 = vector.load %arg2[%get3A, %get3A_0, %get3A_1] : memref<1x2048x2048xf32, #tpu.memory_space<vmem>>, vector<1x2048x2048xf32>
    %argmax3A = tpu.reduce_index %get3A_2 {axis = 2 : i32, kind = #tpu.reduction_kind<arg_max>} : vector<1x2048x2048xf32> -> vector<1x2048xi32>
    %broadcast_in_dim3A = vector.shape_cast %argmax3A : vector<1x2048xi32> to vector<1x2048x1xi32>
    %swap3A = arith.constant 0 : index
    %swap3A_3 = arith.constant 0 : index
    %swap3A_4 = arith.constant 0 : index
    %swap3A_5 = vector.load %arg3[%swap3A, %swap3A_3, %swap3A_4] : memref<1x2048x1xi32, #tpu.memory_space<vmem>>, vector<1x2048x1xi32>
    tpu.vector_store %arg3[%swap3A, %swap3A_3, %swap3A_4], %broadcast_in_dim3A {strides = array<i32>} : memref<1x2048x1xi32, #tpu.memory_space<vmem>>, vector<1x2048x1xi32>,
    return
  }
  func.func @transform_0(%arg0: i32, %arg1: i32) -> (i32, i32, i32) {
    %add3A = arith.constant 0 : i32
    %add3A_0 = arith.addi %arg0, %add3A : i32
    %c0_i32 = arith.constant 0 : i32
    %c0_i32_1 = arith.constant 0 : i32
    return %add3A_0, %arg1, %c0_i32 : i32, i32, i32
  }
  func.func @transform_1(%arg0: i32, %arg1: i32) -> (i32, i32, i32) {
    %c0_i32 = arith.constant 0 : i32
    %c0_i32_0 = arith.constant 0 : i32
    return %arg0, %arg1, %c0_i32 : i32, i32, i32
  }
}

</mosaic_0001>

<sc_bundles>
// kernel: kernel.5.cloned.1.call-start
scs
__scs_entry_jumppad:
0x0: {  	(pc) =	sbr.rel $0x88, $3  }
0x1: {  	(tag) =	ssettag $0x0;
	lr =	simm.s32 $0x1  }
0x2: {  	[smem:$0x3F9B] =	sst lr;
	_ =	strace $0xD0000000  }
0x3: {  	_ = 	snop  }
0x4: {  	_ = 	snop  }
0x5: {  	_ = 	snop  }
0x6: {  	_ = 	snop  }
0x7: {  	_ = 	snop  }
__scs_overlays_trampoline_lowered:
0x8: {  	[smem:$0x3FAA] =	sst s0  }
0x9: {  	[smem:$0x3FAB] =	sst s1  }
0xa: {  	[smem:$0x3FAC] =	sst s2  }
0xb: {  	[smem:$0x3FAD] =	sst s3  }
0xc: {  	[smem:$0x3FAE] =	sst s4  }
0xd: {  	[smem:$0x3FAF] =	sst s5  }
0xe: {  	[smem:$0x3FB0] =	sst s6  }
0xf: {  	[smem:$0x3FB1] =	sst s7  }
0x10: {  	[smem:$0x3FB2] =	sst s8  }
0x11: {  	[smem:$0x3FB3] =	sst s9;
	s0 =	simm.s32 @!p0 $0x0  }
0x12: {  	s1 =	sld [smem:$0x3F99];
	s0 =	simm.s32 @p0 $0x1  }
0x13: {  	[smem:$0x3FB4] =	sst s0;
	s0 =	simm.s32 @!p1 $0x0  }
0x14: {  	s2 =	sld [smem:$0x3F98];
	s0 =	simm.s32 @p1 $0x1  }
0x15: {  	[smem:$0x3FB5] =	sst s0;
	s0 =	simm.s32 @!p2 $0x0  }
0x16: {  	s3 =	sld [smem:$0x3FDB];
	s0 =	simm.s32 @p2 $0x1  }
0x17: {  	s4 =	simm.s32 $0x1BF5;
	[smem:$0x3FB7] =	sst s0  }
0x18: {  	s0 =	sld [smem:$0x3F9A];
	_ =	swait.ge [sflag:s4], $0x0  }
0x19: {  	s7 =	sld [smem:$0x3F9B]  }
0x1a: {  	s8 =	sadd.s32 $0xFFFFE003, lr  }
0x1b: {  	s9 =	sadd.s32 $0xFFFFFEF7, lr;
	s5 =	simm.s32 $0xFFFFFFFF;
	p2 =	slt.u32 s8, $0xFFFFF086  }
0x1c: {  	p1 =	slt.u32 s9, $0xF7A;
	s5 =	simm.s32 @!p2 $0x0  }
0x1d: {  	s5 =	simm.s32 @p1 $0x1;
	p0 =	seq.s32 s7, s2  }
0x1e: {  	s7 =	smul.u32 @!p0 $0xF7A, s2;
	p2 =	seq.s32 @!p0 s5, $0x0  }
0x1f: {  	s9 =	smul.u32 $0xF7A, s1;
	s8 =	simm.s32 @!p0 $0x1BF5;
	p2 =	por !p2, p0  }
0x20: {  	[sflag:s8] =	ssyncset.s32 @!p0 $0xFFFFF086;
	s6 =	sadd.s32 @!p0 s3, s7;
	s7 =	simm.s32 @!p0 $0x108  }
0x21: {  	s3 =	sadd.s32 s3, s9;
	s6 =	sadd.s32 @!p0 $0x88, s6;
	s7 =	simm.s32 @p2 $0x1082  }
0x22: {  	[simem:s7], [sflag:s8] =	dma.local @!p0 [hbm:s6], $0xF7A  }
0x23: {  	s9 =	sor.u32 $0xD0000000, s2;
	s6 =	simm.s32 $0x108;
	_ =	swait.ge @!p0 [sflag:s8], $0x0  }
0x24: {  	s3 =	sadd.s32 $0x88, s3;
	s6 =	simm.s32 @!p1 $0x1082;
	[sflag:s4] =	ssyncset.s32 $0xFFFFF086  }
0x25: {  	[simem:s6], [sflag:s4] =	dma.local [hbm:s3], $0xF7A  }
0x26: {  	[smem:$0x3F9B] =	sst s1;
	(tag) =	ssettag s2;
	_ =	strace s9  }
0x27: {  	s1 =	sld [smem:$0x3FAB]  }
0x28: {  	s2 =	sld [smem:$0x3FAC]  }
0x29: {  	s4 =	sld [smem:$0x3FAE]  }
0x2a: {  	p0 =	seq.s32 s5, $0x0;
	s5 =	sld [smem:$0x3FAF]  }
0x2b: {  	s6 =	sld [smem:$0x3FB0]  }
0x2c: {  	s7 =	sld [smem:$0x3FB1]  }
0x2d: {  	s3 =	simm.s32 $0x108;
	s8 =	sld [smem:$0x3FB2]  }
0x2e: {  	s3 =	simm.s32 @!p0 $0x1082;
	s9 =	sld [smem:$0x3FB3]  }
0x2f: {  	lr =	sadd.s32 s0, s3;
	s0 =	sld [smem:$0x3FAA]  }
0x30: {  	s3 =	sld [smem:$0x3FAD]  }
0x31: {  	[smem:$0x3FB6] =	sst s10  }
0x32: {  	s10 =	sld [smem:$0x3FB4];
	_ =	sdelay $0x3  }
0x33: {  	p0 =	seq.s32 s10, $0x1;
	s10 =	sld [smem:$0x3FB6];
	_ =	sdelay $0x3  }
0x34: {  	[smem:$0x3FB6] =	sst s10  }
0x35: {  	s10 =	sld [smem:$0x3FB5];
	_ =	sdelay $0x3  }
0x36: {  	p1 =	seq.s32 s10, $0x1;
	s10 =	sld [smem:$0x3FB6];
	_ =	sdelay $0x3  }
0x37: {  	[smem:$0x3FB6] =	sst s10  }
0x38: {  	s10 =	sld [smem:$0x3FB7]  }
0x39: {  	_ = 	snop;
	(pc) =	sbr.ind lr, $3  }
0x3a: {  	_ = 	snop  }
0x3b: {  	_ = 	snop  }
0x3c: {  	p2 =	seq.s32 s10, $0x1;
	s10 =	sld [smem:$0x3FB6]  }
0x3d: {  	_ =	shalt  }
0x3e: {  	_ =	shalt  }
0x3f: {  	_ =	shalt  }
0x40: {  	_ =	shalt  }
0x41: {  	_ =	shalt  }
0x42: {  	_ =	shalt  }
0x43: {  	_ =	shalt  }
0x44: {  	_ =	shalt  }
0x45: {  	_ =	shalt  }
0x46: {  	_ =	shalt  }
0x47: {  	_ =	shalt  }
0x48: {  	_ =	shalt  }
0x49: {  	_ =	shalt  }
0x4a: {  	_ =	shalt  }
0x4b: {  	_ =	shalt  }
0x4c: {  	_ =	shalt  }
0x4d: {  	_ =	shalt  }
0x4e: {  	_ =	shalt  }
0x4f: {  	_ =	shalt  }
0x50: {  	_ =	shalt  }
0x51: {  	_ =	shalt  }
0x52: {  	_ =	shalt  }
0x53: {  	_ =	shalt  }
0x54: {  	_ =	shalt  }
0x55: {  	_ =	shalt  }
0x56: {  	_ =	shalt  }
0x57: {  	_ =	shalt  }
0x58: {  	_ =	shalt  }
0x59: {  	_ =	shalt  }
0x5a: {  	_ =	shalt  }
0x5b: {  	_ =	shalt  }
0x5c: {  	_ =	shalt  }
0x5d: {  	_ =	shalt  }
0x5e: {  	_ =	shalt  }
0x5f: {  	_ =	shalt  }
0x60: {  	_ =	shalt  }
0x61: {  	_ =	shalt  }
0x62: {  	_ =	shalt  }
0x63: {  	_ =	shalt  }
0x64: {  	_ =	shalt  }
0x65: {  	_ =	shalt  }
0x66: {  	_ =	shalt  }
0x67: {  	_ =	shalt  }
0x68: {  	_ =	shalt  }
0x69: {  	_ =	shalt  }
0x6a: {  	_ =	shalt  }
0x6b: {  	_ =	shalt  }
0x6c: {  	_ =	shalt  }
0x6d: {  	_ =	shalt  }
0x6e: {  	_ =	shalt  }
0x6f: {  	_ =	shalt  }
0x70: {  	_ =	shalt  }
0x71: {  	_ =	shalt  }
0x72: {  	_ =	shalt  }
0x73: {  	_ =	shalt  }
0x74: {  	_ =	shalt  }
0x75: {  	_ =	shalt  }
0x76: {  	_ =	shalt  }
0x77: {  	_ =	shalt  }
0x78: {  	_ =	shalt  }
0x79: {  	_ =	shalt  }
0x7a: {  	_ =	shalt  }
0x7b: {  	_ =	shalt  }
0x7c: {  	_ =	shalt  }
0x7d: {  	_ =	shalt  }
0x7e: {  	_ =	shalt  }
0x7f: {  	_ =	shalt  }
0x80: {  	_ =	shalt  }
0x81: {  	_ =	shalt  }
0x82: {  	_ =	shalt  }
0x83: {  	_ =	shalt  }
0x84: {  	_ =	shalt  }
0x85: {  	_ =	shalt  }
0x86: {  	_ =	shalt  }
0x87: {  	_ =	shalt  }
.Lfunc_end0:
.L_simem_size_0:
called_computation_lowered:
.L_overlay_start_0:
0x88: {  	s2 =	sld [smem:$0x3FD9]  }
0x89: {  	s3 =	sld [smem:$0x3FFE];
	_ =	sdelay $0x1  }
0x8a: {  	s1 =	srdreg.scid  }
0x8b: {  	s0 =	sand.u32 $0x1, s1  }
0x8c: {  	s16 =	sshll.u32 s0, $0xA;
	s2 =	sadd.s32 s3, s2  }
0x8d: {  	s2 =	sadd.s32 s2, s16  }
0x8e: {  	[smem:$0x3FC2] =	sst s2  }
0x8f: {  	_ = 	snop  }
0x90: {  	(tm) =	ssettm $0x1  }
0x91: {  	s17 =	sld [smem:$0x3FFB];
	_ =	sdelay $0x3  }
0x92: {  	_ =	strace s17  }
0x93: {  	s2 =	sld [smem:$0x3FFC];
	_ =	sdelay $0x3  }
0x94: {  	_ =	strace s2  }
0x95: {  	s2 =	sld [smem:$0x3FFD];
	_ =	sdelay $0x3  }
0x96: {  	_ =	strace s2  }
0x97: {  	_ =	strace $0x8FFFFFFF  }
0x98: {  	s18 =	sld [smem:$0x3FDB];
	_ =	sdelay $0x1  }
0x99: {  	s19 =	simm.s32 $_scs_section_size  }
0x9a: {  	s4 =	simm.s32 $_size__tile_overlayer_lowered;
	s5 =	simm.s32 $_tile_overlayer_lowered  }
0x9b: {  	s22 =	simm.s32 $0x1BFF;
	s21 =	sshll.u32 s5, $0x1;
	s2 =	sadd.s32 s19, s18  }
0x9c: {  	s6 =	simm.s32 $0x0;
	s20 =	sshll.u32 s4, $0x1;
	s4 =	sadd.s32 s21, s2  }
0x9d: {  	[timem:s6], [sflag:s22] =	dma.local [hbm:s4], s20  }
0x9e: {  	_ =	swait.ge [sflag:s22], s20  }
0x9f: {  	s3 =	ssub.s32 $0x0, s20;
	[sflag:s22] =	ssyncset.done $0x0  }
0xa0: {  	[sflag:s22] =	ssyncadd.s32 s3;
	_ =	sdelay $0x1  }
0xa1: {  	s23 =	simm.s32 $0x1B8B  }
0xa2: {  	_ =	swait.ge [sflag:s23], $0x1  }
0xa3: {  	[sflag:s23] =	ssyncset.done $0x0  }
0xa4: {  	s25 =	simm.s32 $0x1B8E;
	s24 =	sld [smem:$0x3FFE];
	[sflag:s23] =	ssyncadd.s32 $0xFFFFFFFF  }
0xa5: {  	s26 =	simm.s32 $execute0_lowered;
	[smem:$0x3FD2] =	sst s25  }
0xa6: {  	s4 =	sshll.u32 s26, $0x1;
	_ =	strace $0x80000046;
	[dreg:$0x1] =	wrdreg $0xFFFFFFFF  }
0xa7: {  	s28 =	simm.s32 $_size_execute0_lowered;
	s2 =	sadd.s32 s2, s4;
	[dreg:$0x0] =	wrdreg $0x0  }
0xa8: {  	s4 =	sshll.u32 s28, $0x1;
	[dreg:$0x2] =	wrdreg s2  }
0xa9: {  	[dreg:$0x3] =	wrdreg s4  }
0xaa: {  	[dreg:$0x4] =	wrdreg $0xC0  }
0xab: {  	_ =	task [dreg:s6], $0x5FFFF  }
0xac: {  	[dreg:$0x1] =	wrdreg $0xFFFFFFFF  }
0xad: {  	[dreg:$0x0] =	wrdreg $0x60  }
0xae: {  	[dreg:$0x2] =	wrdreg s24  }
0xaf: {  	[dreg:$0x3] =	wrdreg $0x9  }
0xb0: {  	_ =	task.clear_ibuf [dreg:s6], $0x4FFFF;
	_ =	strace $0x90000046  }
0xb1: {  	s29 =	simm.s32 $0x9;
	_ =	strace $0x80000048  }
0xb2: {  	_ =	swait.ge [sflag:s29], $0x1  }
0xb3: {  	[sflag:s29] =	ssyncadd.s32 $0xFFFFFFFF  }
0xb4: {  	_ =	strace $0x90000048  }
0xb5: {  	_ =	sfence  }
0xb6: {  	s30 =	sld [smem:$0x0];
	_ =	sdelay $0x2  }
0xb7: {  	s31 =	sshll.u32 s1, $0xD;
	s1 =	sshrl.u32 s1, $0x2  }
0xb8: {  	s3 =	sand.u32 $0x4000, s31;
	s1 =	sadd.s32 s1, s30  }
0xb9: {  	s0 =	sor.u32 s3, s0;
	s1 =	sshll.u32 s1, $0x11  }
0xba: {  	s0 =	sor.u32 s1, s0  }
0xbb: {  	s0 =	sadd.s32 $0x8F2B, s0  }
0xbc: {  	[sflag:s0] =	ssyncadd.remote.s32 $0x1  }
0xbd: {  	_ =	sfence.sel $0xFFFF  }
0xbe: {  	[dreg:$0x0] =	wrdreg $0xFFFFFFFF;
	(pc) =	sbr.abs _section_cstart, $3  }
0xbf: {  	[dreg:$0x1] =	wrdreg $0xFFFFFFFF  }
0xc0: {  	_ =	task.clear_ibuf [dreg:s6], $0x2FFFF;
	_ =	strace $0x9FFFFFFF  }
0xc1: {  	(tm) =	ssettm $0x7FFFFFFF  }
tec
execute0_lowered:
.L_overlay_start_1:
0x0: {  	(tag) =	ssettag $0x1  }
0x1: {  	s1 =	srdreg.scid  }
0x2: {  	s1 =	sand.u32 $0x1, s1  }
0x3: {  	p0 =	seq.s32 s1, $0x1  }
.Ltmp0:
0x4: {  	_ = 	snop;
	(pc) =	sbr.rel @p0 .LBB2_4-.Ltmp0, $4  }
0x5: {  	_ = 	snop  }
0x6: {  	s3 =	rddreg [dreg:$0x0];
	s2 =	simm.s32 $0x0  }
0x7: {  	[smem:$0x7FF] =	sst s2  }
0x8: {  	s0 =	rddreg [dreg:$0x1];
	_ =	strace $0x80000047;
	s1 =	stileid.u32  }
0x9: {  	s4 =	sshll.u32 s1, $0x8;
	s5 =	sshll.u32 s1, $0x4  }
0xa: {  	s4 =	sor.u32 s5, s4  }
0xb: {  	s28 =	sadd.s32 $0x600, s3;
	s29 =	simm.s32 $0x80;
	s6 =	sand.u32 $0x870, s4  }
0xc: {  	s7 =	simm.s32 $0x400;
	s30 =	simm.s32 $0x1;
	s4 =	sadd.s32 s28, s6  }
0xd: {  	[tilespmem:s2], [sflag:$0x1] =	stream.strided.gather [hbm4b:s4+s29], $0x800, s7, s29, $0x38;
	[tilespmem:$0x1000] =	vst v63  }
0xe: {  	_ =	swait.ge [sflag:s30], $0x800  }
0xf: {  	[sflag:s30] =	ssyncset.done $0x0  }
0x10: {  	s4 =	simm.s32 $0x0;
	[sflag:s30] =	ssyncadd.s32 $0xFFFFF800  }
0x11: {  	v2 =	vld [tilespmem:s4+$0x0];
	_ =	sdelay $0x4  }
0x12: {  	s2 =	simm.s32 $0x10;
	(xrf0) =	vadd.scan.msk.s32 $0xffff, v2  }
0x13: {  	v1 =	vld [tilespmem:s2+$0x0];
	_ =	sdelay $0x4  }
0x14: {  	v0 =	vimm.s32 $0x0;
	s5 =	simm.s32 $0x20;
	v3, _, _ =	vpop (xrf0);
	(xrf0) =	vadd.scan.msk.s32 $0xffff, v1  }
0x15: {  	vm1 =	vne.s32 v2, $0x0;
	v2 =	vld [tilespmem:s5+$0x0];
	v3 =	vadd.s32 v3, v0  }
0x16: {  	v3 =	vadd.s32 $0xFFFFFFFF, v3  }
0x17: {  	vm0 =	vgt.s32 v3, $0x0  }
0x18: {  	s31 =	sadd.s32 s6, s3;
	v4 =	vmpcnt.ones.xlane vm1;
	v3 =	vnsel vm0, $0x0, v3  }
0x19: {  	s6 =	simm.s32 $0xC0;
	s3 =	sadd.s32 $0x1600, s31;
	v3 =	vmin.u32 v3, $0x7FF  }
.LBB2_2:
0x1a: {  	s7 =	sshra.s32 s6, $0x2;
	p0 =	sne.s32 s6, $0x1FC0;
	s6 =	sadd.s32 $0x40, s6;
	(xrf0) =	vadd.scan.msk.s32 $0xffff, v2;
	v5, _, _ =	vpop (xrf0);
	[tilespmem:s4+$0x800] =	vst v3;
	v0 =	vadd.s32 v0, v4;
	v3 =	vmov v2  }
.Ltmp1:
0x1b: {  	s4 =	smov.u32 s2;
	s2 =	smov.u32 s5;
	v2 =	vld [tilespmem:s7+$0x0];
	v4 =	vadd.s32 v5, v0;
	(pc) =	sbr.rel @p0 .LBB2_2-.Ltmp1, $4  }
0x1c: {  	s5 =	smov.u32 s7;
	v4 =	vadd.s32 $0xFFFFFFFF, v4  }
0x1d: {  	vm1 =	vne.s32 v1, $0x0;
	v1 =	vmov v3;
	vm0 =	vgt.s32 v4, $0x0  }
0x1e: {  	v3 =	vnsel vm0, $0x0, v4;
	v4 =	vmpcnt.ones.xlane vm1  }
0x1f: {  	v3 =	vmin.u32 v3, $0x7FF  }
0x20: {  	(xrf0) =	vadd.scan.msk.s32 $0xffff, v2;
	_ =	sdelay $0x2  }
0x21: {  	vm0 =	vne.s32 v1, $0x0  }
0x22: {  	v1 =	vmpcnt.ones.xlane vm0  }
0x23: {  	v61, _, _ =	vpop (xrf0);
	v0 =	vadd.s32 v0, v4  }
0x24: {  	v2 =	vadd.s32 v61, v0;
	v0 =	vadd.s32 v0, v1;
	v62, _, _ =	vpop (xrf0)  }
0x25: {  	v63 =	vadd.s32 $0xFFFFFFFF, v2;
	v0 =	vadd.s32 v62, v0  }
0x26: {  	vm14 =	vgt.s32 v63, $0x0;
	v0 =	vadd.s32 $0xFFFFFFFF, v0  }
0x27: {  	v1 =	vnsel vm14, $0x0, v63;
	vm15 =	vgt.s32 v0, $0x0  }
0x28: {  	[tilespmem:s4+$0x800] =	vst v3;
	v1 =	vmin.u32 v1, $0x7FF;
	v0 =	vnsel vm15, $0x0, v0  }
0x29: {  	s28 =	simm.s32 $0x80;
	[tilespmem:s2+$0x800] =	vst v1;
	v0 =	vmin.u32 v0, $0x7FF  }
0x2a: {  	s29 =	simm.s32 $0x400;
	s30 =	simm.s32 $0x800;
	s31 =	simm.s32 $0x1;
	[tilespmem:s5+$0x800] =	vst v0  }
0x2b: {  	[hbm4b:s3+s28] =	stream.strided.scatter [tilespmem:s30], [sflag:$0x1], $0x800, s29, s28, $0x38;
	[tilespmem:$0x1000] =	vst v63  }
0x2c: {  	_ =	swait.ge [sflag:s31], $0x800  }
0x2d: {  	[sflag:s31] =	ssyncset.done $0x0  }
0x2e: {  	[sflag:s31] =	ssyncadd.s32 $0xFFFFF800  }
.LBB2_4:
0x2f: {  	_ =	sfence.sel $0x180000  }
0x30: {  	[bflag:$0x0] =	sbarrier.arrive $0xFFFF  }
0x31: {  	p0 =	sne.s32 s1, $0x0;
	_ =	strace $0x90000047  }
0x32: {  	s0 =	sadd.s32 @!p0 $0x100000, s0;
	[bflag:$0x2] =	sbarrier.arrive $0xFFFF  }
0x33: {  	[sflag:s0] =	ssyncadd.tile.s32 @!p0 $0x1;
	_ =	shalt  }
.Lfunc_end2:
_tile_overlayer_lowered:
.L_overlay_start_2:
0x34: {  	(tag) =	ssettag $0x2  }
0x35: {  	s0 =	rddreg [dreg:$0x0];
	s2 =	stileid.u32  }
0x36: {  	s1 =	rddreg [dreg:$0x1];
	p0 =	sne.s32 s2, $0x0  }
0x37: {  	s3 =	rddreg [dreg:$0x2];
	[bflag:$0x3] =	sbarrier.arrive $0xFFFF;
	s2 =	simm.s32 @!p0 $0x1C01  }
0x38: {  	[timem:s3], [sflag:s2] =	dma.local @!p0 [hbm:s0], s1  }
0x39: {  	s0 =	simm.s32 @!p0 $0x1  }
0x3a: {  	_ =	swait.ge @!p0 [sflag:s0], s1  }
0x3b: {  	s1 =	ssub.s32 @!p0 $0x0, s1;
	[sflag:s0] =	ssyncset.done @!p0 $0x0  }
0x3c: {  	[sflag:s0] =	ssyncadd.s32 @!p0 s1  }
0x3d: {  	[bflag:$0x3] =	sbarrier.arrive $0xFFFF  }
0x3e: {  	_ =	shalt  }

// kernel: kernel.8.cloned.1.call-start
scs
__scs_entry_jumppad:
0x0: {  	(pc) =	sbr.rel $0x88, $3  }
0x1: {  	(tag) =	ssettag $0x0;
	lr =	simm.s32 $0x1  }
0x2: {  	[smem:$0x3F9B] =	sst lr;
	_ =	strace $0xD0000000  }
0x3: {  	_ = 	snop  }
0x4: {  	_ = 	snop  }
0x5: {  	_ = 	snop  }
0x6: {  	_ = 	snop  }
0x7: {  	_ = 	snop  }
__scs_overlays_trampoline_lowered:
0x8: {  	[smem:$0x3FAA] =	sst s0  }
0x9: {  	[smem:$0x3FAB] =	sst s1  }
0xa: {  	[smem:$0x3FAC] =	sst s2  }
0xb: {  	[smem:$0x3FAD] =	sst s3  }
0xc: {  	[smem:$0x3FAE] =	sst s4  }
0xd: {  	[smem:$0x3FAF] =	sst s5  }
0xe: {  	[smem:$0x3FB0] =	sst s6  }
0xf: {  	[smem:$0x3FB1] =	sst s7  }
0x10: {  	[smem:$0x3FB2] =	sst s8  }
0x11: {  	[smem:$0x3FB3] =	sst s9;
	s0 =	simm.s32 @!p0 $0x0  }
0x12: {  	s1 =	sld [smem:$0x3F99];
	s0 =	simm.s32 @p0 $0x1  }
0x13: {  	[smem:$0x3FB4] =	sst s0;
	s0 =	simm.s32 @!p1 $0x0  }
0x14: {  	s2 =	sld [smem:$0x3F98];
	s0 =	simm.s32 @p1 $0x1  }
0x15: {  	[smem:$0x3FB5] =	sst s0;
	s0 =	simm.s32 @!p2 $0x0  }
0x16: {  	s3 =	sld [smem:$0x3FDB];
	s0 =	simm.s32 @p2 $0x1  }
0x17: {  	s4 =	simm.s32 $0x1BF5;
	[smem:$0x3FB7] =	sst s0  }
0x18: {  	s0 =	sld [smem:$0x3F9A];
	_ =	swait.ge [sflag:s4], $0x0  }
0x19: {  	s7 =	sld [smem:$0x3F9B]  }
0x1a: {  	s8 =	sadd.s32 $0xFFFFE003, lr  }
0x1b: {  	s9 =	sadd.s32 $0xFFFFFEF7, lr;
	s5 =	simm.s32 $0xFFFFFFFF;
	p2 =	slt.u32 s8, $0xFFFFF086  }
0x1c: {  	p1 =	slt.u32 s9, $0xF7A;
	s5 =	simm.s32 @!p2 $0x0  }
0x1d: {  	s5 =	simm.s32 @p1 $0x1;
	p0 =	seq.s32 s7, s2  }
0x1e: {  	s7 =	smul.u32 @!p0 $0xF7A, s2;
	p2 =	seq.s32 @!p0 s5, $0x0  }
0x1f: {  	s9 =	smul.u32 $0xF7A, s1;
	s8 =	simm.s32 @!p0 $0x1BF5;
	p2 =	por !p2, p0  }
0x20: {  	[sflag:s8] =	ssyncset.s32 @!p0 $0xFFFFF086;
	s6 =	sadd.s32 @!p0 s3, s7;
	s7 =	simm.s32 @!p0 $0x108  }
0x21: {  	s3 =	sadd.s32 s3, s9;
	s6 =	sadd.s32 @!p0 $0x88, s6;
	s7 =	simm.s32 @p2 $0x1082  }
0x22: {  	[simem:s7], [sflag:s8] =	dma.local @!p0 [hbm:s6], $0xF7A  }
0x23: {  	s9 =	sor.u32 $0xD0000000, s2;
	s6 =	simm.s32 $0x108;
	_ =	swait.ge @!p0 [sflag:s8], $0x0  }
0x24: {  	s3 =	sadd.s32 $0x88, s3;
	s6 =	simm.s32 @!p1 $0x1082;
	[sflag:s4] =	ssyncset.s32 $0xFFFFF086  }
0x25: {  	[simem:s6], [sflag:s4] =	dma.local [hbm:s3], $0xF7A  }
0x26: {  	[smem:$0x3F9B] =	sst s1;
	(tag) =	ssettag s2;
	_ =	strace s9  }
0x27: {  	s1 =	sld [smem:$0x3FAB]  }
0x28: {  	s2 =	sld [smem:$0x3FAC]  }
0x29: {  	s4 =	sld [smem:$0x3FAE]  }
0x2a: {  	p0 =	seq.s32 s5, $0x0;
	s5 =	sld [smem:$0x3FAF]  }
0x2b: {  	s6 =	sld [smem:$0x3FB0]  }
0x2c: {  	s7 =	sld [smem:$0x3FB1]  }
0x2d: {  	s3 =	simm.s32 $0x108;
	s8 =	sld [smem:$0x3FB2]  }
0x2e: {  	s3 =	simm.s32 @!p0 $0x1082;
	s9 =	sld [smem:$0x3FB3]  }
0x2f: {  	lr =	sadd.s32 s0, s3;
	s0 =	sld [smem:$0x3FAA]  }
0x30: {  	s3 =	sld [smem:$0x3FAD]  }
0x31: {  	[smem:$0x3FB6] =	sst s10  }
0x32: {  	s10 =	sld [smem:$0x3FB4];
	_ =	sdelay $0x3  }
0x33: {  	p0 =	seq.s32 s10, $0x1;
	s10 =	sld [smem:$0x3FB6];
	_ =	sdelay $0x3  }
0x34: {  	[smem:$0x3FB6] =	sst s10  }
0x35: {  	s10 =	sld [smem:$0x3FB5];
	_ =	sdelay $0x3  }
0x36: {  	p1 =	seq.s32 s10, $0x1;
	s10 =	sld [smem:$0x3FB6];
	_ =	sdelay $0x3  }
0x37: {  	[smem:$0x3FB6] =	sst s10  }
0x38: {  	s10 =	sld [smem:$0x3FB7]  }
0x39: {  	_ = 	snop;
	(pc) =	sbr.ind lr, $3  }
0x3a: {  	_ = 	snop  }
0x3b: {  	_ = 	snop  }
0x3c: {  	p2 =	seq.s32 s10, $0x1;
	s10 =	sld [smem:$0x3FB6]  }
0x3d: {  	_ =	shalt  }
0x3e: {  	_ =	shalt  }
0x3f: {  	_ =	shalt  }
0x40: {  	_ =	shalt  }
0x41: {  	_ =	shalt  }
0x42: {  	_ =	shalt  }
0x43: {  	_ =	shalt  }
0x44: {  	_ =	shalt  }
0x45: {  	_ =	shalt  }
0x46: {  	_ =	shalt  }
0x47: {  	_ =	shalt  }
0x48: {  	_ =	shalt  }
0x49: {  	_ =	shalt  }
0x4a: {  	_ =	shalt  }
0x4b: {  	_ =	shalt  }
0x4c: {  	_ =	shalt  }
0x4d: {  	_ =	shalt  }
0x4e: {  	_ =	shalt  }
0x4f: {  	_ =	shalt  }
0x50: {  	_ =	shalt  }
0x51: {  	_ =	shalt  }
0x52: {  	_ =	shalt  }
0x53: {  	_ =	shalt  }
0x54: {  	_ =	shalt  }
0x55: {  	_ =	shalt  }
0x56: {  	_ =	shalt  }
0x57: {  	_ =	shalt  }
0x58: {  	_ =	shalt  }
0x59: {  	_ =	shalt  }
0x5a: {  	_ =	shalt  }
0x5b: {  	_ =	shalt  }
0x5c: {  	_ =	shalt  }
0x5d: {  	_ =	shalt  }
0x5e: {  	_ =	shalt  }
0x5f: {  	_ =	shalt  }
0x60: {  	_ =	shalt  }
0x61: {  	_ =	shalt  }
0x62: {  	_ =	shalt  }
0x63: {  	_ =	shalt  }
0x64: {  	_ =	shalt  }
0x65: {  	_ =	shalt  }
0x66: {  	_ =	shalt  }
0x67: {  	_ =	shalt  }
0x68: {  	_ =	shalt  }
0x69: {  	_ =	shalt  }
0x6a: {  	_ =	shalt  }
0x6b: {  	_ =	shalt  }
0x6c: {  	_ =	shalt  }
0x6d: {  	_ =	shalt  }
0x6e: {  	_ =	shalt  }
0x6f: {  	_ =	shalt  }
0x70: {  	_ =	shalt  }
0x71: {  	_ =	shalt  }
0x72: {  	_ =	shalt  }
0x73: {  	_ =	shalt  }
0x74: {  	_ =	shalt  }
0x75: {  	_ =	shalt  }
0x76: {  	_ =	shalt  }
0x77: {  	_ =	shalt  }
0x78: {  	_ =	shalt  }
0x79: {  	_ =	shalt  }
0x7a: {  	_ =	shalt  }
0x7b: {  	_ =	shalt  }
0x7c: {  	_ =	shalt  }
0x7d: {  	_ =	shalt  }
0x7e: {  	_ =	shalt  }
0x7f: {  	_ =	shalt  }
0x80: {  	_ =	shalt  }
0x81: {  	_ =	shalt  }
0x82: {  	_ =	shalt  }
0x83: {  	_ =	shalt  }
0x84: {  	_ =	shalt  }
0x85: {  	_ =	shalt  }
0x86: {  	_ =	shalt  }
0x87: {  	_ =	shalt  }
.Lfunc_end0:
.L_simem_size_0:
called_computation.1_lowered:
.L_overlay_start_0:
0x88: {  	s2 =	sld [smem:$0x3FD9]  }
0x89: {  	s3 =	sld [smem:$0x3FFE];
	_ =	sdelay $0x1  }
0x8a: {  	s1 =	srdreg.scid  }
0x8b: {  	s0 =	sand.u32 $0x1, s1  }
0x8c: {  	s14 =	sshll.u32 s0, $0xA;
	s2 =	sadd.s32 s3, s2  }
0x8d: {  	s2 =	sadd.s32 s2, s14  }
0x8e: {  	[smem:$0x3FC2] =	sst s2  }
0x8f: {  	_ = 	snop  }
0x90: {  	s2 =	sld [smem:$0x3FD0]  }
0x91: {  	s15 =	sld [smem:$0x3FC8]  }
0x92: {  	s4 =	sld [smem:$0x3FC5]  }
0x93: {  	s6 =	simm.s32 $0xA;
	s7 =	simm.s32 $0x10;
	s5 =	sld [smem:$0x3FC4]  }
0x94: {  	[smem:s7], [sflag:s6] =	dma.local [hbm:s2], $0x1  }
0x95: {  	_ =	swait.eq [sflag:s6], $0x1  }
0x96: {  	[sflag:s6] =	ssyncset.done $0x0  }
0x97: {  	s16 =	sld [smem:$0x10];
	[sflag:s6] =	ssyncadd.s32 $0xFFFFFFFF  }
0x98: {  	s17 =	sld [smem:$0x11];
	(tm) =	ssettm $0x1  }
0x99: {  	s18 =	sld [smem:$0x3FFB];
	_ =	sdelay $0x3  }
0x9a: {  	_ =	strace s18  }
0x9b: {  	s7 =	sld [smem:$0x3FFC];
	_ =	sdelay $0x3  }
0x9c: {  	_ =	strace s7  }
0x9d: {  	s7 =	sld [smem:$0x3FFD];
	_ =	sdelay $0x3  }
0x9e: {  	_ =	strace s7  }
0x9f: {  	_ =	strace $0x8FFFFFFF  }
0xa0: {  	s19 =	sld [smem:$0x3FDB];
	_ =	sdelay $0x1  }
0xa1: {  	s8 =	simm.s32 $_scs_section_size  }
0xa2: {  	s9 =	simm.s32 $_size__tile_overlayer_lowered;
	s10 =	simm.s32 $_tile_overlayer_lowered  }
0xa3: {  	s22 =	simm.s32 $0x1BFF;
	s21 =	sshll.u32 s10, $0x1;
	s7 =	sadd.s32 s8, s19  }
0xa4: {  	s11 =	simm.s32 $0x0;
	s20 =	sshll.u32 s9, $0x1;
	s9 =	sadd.s32 s21, s7  }
0xa5: {  	[timem:s11], [sflag:s22] =	dma.local [hbm:s9], s20  }
0xa6: {  	_ =	swait.ge [sflag:s22], s20  }
0xa7: {  	s8 =	ssub.s32 $0x0, s20;
	[sflag:s22] =	ssyncset.done $0x0  }
0xa8: {  	[sflag:s22] =	ssyncadd.s32 s8;
	_ =	sdelay $0x1  }
0xa9: {  	s23 =	simm.s32 $0x1B8B  }
0xaa: {  	_ =	swait.ge [sflag:s23], $0x1  }
0xab: {  	[sflag:s23] =	ssyncset.done $0x0  }
0xac: {  	s25 =	simm.s32 $0x1B8E;
	s24 =	sld [smem:$0x3FFE];
	[sflag:s23] =	ssyncadd.s32 $0xFFFFFFFF  }
0xad: {  	s26 =	simm.s32 $execute0_lowered;
	[smem:$0x3FD2] =	sst s25  }
0xae: {  	s9 =	sshll.u32 s26, $0x1;
	_ =	strace $0x80000049;
	[dreg:$0x1] =	wrdreg $0xFFFFFFFF  }
0xaf: {  	s28 =	simm.s32 $_size_execute0_lowered;
	s7 =	sadd.s32 s7, s9;
	[dreg:$0x0] =	wrdreg $0x0  }
0xb0: {  	s9 =	sshll.u32 s28, $0x1;
	[dreg:$0x2] =	wrdreg s7  }
0xb1: {  	[dreg:$0x3] =	wrdreg s9  }
0xb2: {  	[dreg:$0x4] =	wrdreg $0xC0  }
0xb3: {  	_ =	task [dreg:s11], $0x5FFFF  }
0xb4: {  	[dreg:$0x1] =	wrdreg $0xFFFFFFFF  }
0xb5: {  	[dreg:$0x0] =	wrdreg $0x60  }
0xb6: {  	[dreg:$0x2] =	wrdreg s24  }
0xb7: {  	[dreg:$0x3] =	wrdreg s15  }
0xb8: {  	[dreg:$0x4] =	wrdreg s4  }
0xb9: {  	[dreg:$0x5] =	wrdreg s5  }
0xba: {  	[dreg:$0x6] =	wrdreg s16  }
0xbb: {  	[dreg:$0x7] =	wrdreg s17  }
0xbc: {  	[dreg:$0x8] =	wrdreg $0x9  }
0xbd: {  	_ =	task.clear_ibuf [dreg:s11], $0x9FFFF;
	_ =	strace $0x90000049  }
0xbe: {  	s29 =	simm.s32 $0x9;
	_ =	strace $0x8000004B  }
0xbf: {  	_ =	swait.ge [sflag:s29], $0x1  }
0xc0: {  	[sflag:s29] =	ssyncadd.s32 $0xFFFFFFFF  }
0xc1: {  	_ =	strace $0x9000004B  }
0xc2: {  	_ =	sfence  }
0xc3: {  	s30 =	sld [smem:$0x0];
	_ =	sdelay $0x2  }
0xc4: {  	s31 =	sshll.u32 s1, $0xD;
	s1 =	sshrl.u32 s1, $0x2  }
0xc5: {  	s3 =	sand.u32 $0x4000, s31;
	s1 =	sadd.s32 s1, s30  }
0xc6: {  	s0 =	sor.u32 s3, s0;
	s1 =	sshll.u32 s1, $0x11  }
0xc7: {  	s0 =	sor.u32 s1, s0  }
0xc8: {  	s0 =	sadd.s32 $0x8F2B, s0  }
0xc9: {  	[sflag:s0] =	ssyncadd.remote.s32 $0x1  }
0xca: {  	_ =	sfence.sel $0xFFFF  }
0xcb: {  	[dreg:$0x0] =	wrdreg $0xFFFFFFFF;
	(pc) =	sbr.abs _section_cstart, $3  }
0xcc: {  	[dreg:$0x1] =	wrdreg $0xFFFFFFFF  }
0xcd: {  	_ =	task.clear_ibuf [dreg:s11], $0x2FFFF;
	_ =	strace $0x9FFFFFFF  }
0xce: {  	(tm) =	ssettm $0x7FFFFFFF  }
0xcf: {  	_ =	shalt  }
tec
execute0_lowered:
.L_overlay_start_1:
0x0: {  	(tag) =	ssettag $0x1  }
0x1: {  	s2 =	rddreg [dreg:$0x0];
	s1 =	srdreg.scid  }
0x2: {  	s7 =	rddreg [dreg:$0x1];
	s1 =	sand.u32 $0x1, s1  }
0x3: {  	s6 =	rddreg [dreg:$0x2];
	p0 =	seq.s32 s1, $0x1  }
.Ltmp0:
0x4: {  	s4 =	rddreg [dreg:$0x3];
	(pc) =	sbr.rel @p0 .LBB2_4-.Ltmp0, $4  }
0x5: {  	s5 =	rddreg [dreg:$0x4]  }
0x6: {  	s8 =	rddreg [dreg:$0x5];
	s3 =	simm.s32 $0x0  }
0x7: {  	[smem:$0x7FF] =	sst s3  }
0x8: {  	s0 =	rddreg [dreg:$0x6];
	_ =	strace $0x8000004A;
	s1 =	stileid.u32  }
0x9: {  	s9 =	sshll.u32 s1, $0x8;
	s10 =	sshll.u32 s1, $0x4  }
0xa: {  	s9 =	sor.u32 s10, s9  }
0xb: {  	s18 =	sadd.s32 $0x82600, s2;
	s11 =	simm.s32 $0x80;
	s9 =	sand.u32 $0x870, s9  }
0xc: {  	s12 =	simm.s32 $0x400;
	s19 =	simm.s32 $0x1;
	s10 =	sadd.s32 s18, s9  }
0xd: {  	[tilespmem:s3], [sflag:$0x1] =	stream.strided.gather [hbm4b:s10+s11], $0x800, s12, s11, $0x38;
	[tilespmem:$0x4880] =	vst v63  }
0xe: {  	_ =	swait.ge [sflag:s19], $0x800  }
0xf: {  	[sflag:s19] =	ssyncset.done $0x0  }
0x10: {  	s13 =	simm.s32 $0x800;
	s7 =	sadd.s32 s7, s9;
	[sflag:s19] =	ssyncadd.s32 $0xFFFFF800  }
0x11: {  	[tilespmem:s13], [sflag:$0x1] =	stream.strided.gather [hbm4b:s7+s11], $0x800, s12, s11, $0x38;
	[tilespmem:$0x4880] =	vst v63  }
0x12: {  	_ =	swait.ge [sflag:s19], $0x800  }
0x13: {  	[sflag:s19] =	ssyncset.done $0x0  }
0x14: {  	s20 =	simm.s32 $0x1000;
	s6 =	sadd.s32 s6, s9;
	[sflag:s19] =	ssyncadd.s32 $0xFFFFF800  }
0x15: {  	[tilespmem:s20], [sflag:$0x1] =	stream.strided.gather [hbm4b:s6+s11], $0x800, s12, s11, $0x38;
	[tilespmem:$0x4880] =	vst v63  }
0x16: {  	_ =	swait.ge [sflag:s19], $0x800  }
0x17: {  	s21 =	sadd.s32 $0x600, s2;
	[sflag:s19] =	ssyncset.done $0x0  }
0x18: {  	s22 =	simm.s32 $0x1800;
	s6 =	sadd.s32 s21, s9;
	[sflag:s19] =	ssyncadd.s32 $0xFFFFF800  }
0x19: {  	[tilespmem:s22], [sflag:$0x1] =	stream.strided.gather [hbm4b:s6+s11], $0x800, s12, s11, $0x38;
	[tilespmem:$0x4880] =	vst v63  }
0x1a: {  	_ =	swait.ge [sflag:s19], $0x800  }
0x1b: {  	[sflag:s19] =	ssyncset.done $0x0  }
0x1c: {  	s23 =	simm.s32 $0x2000;
	s4 =	sadd.s32 s4, s9;
	[sflag:s19] =	ssyncadd.s32 $0xFFFFF800  }
0x1d: {  	[tilespmem:s23], [sflag:$0x1] =	stream.strided.gather [hbm4b:s4+s11], $0x800, s12, s11, $0x38;
	[tilespmem:$0x4880] =	vst v63  }
0x1e: {  	_ =	swait.ge [sflag:s19], $0x800  }
0x1f: {  	s24 =	sadd.s32 $0x1600, s2;
	[sflag:s19] =	ssyncset.done $0x0  }
0x20: {  	s25 =	simm.s32 $0x2800;
	s4 =	sadd.s32 s24, s9;
	[sflag:s19] =	ssyncadd.s32 $0xFFFFF800  }
0x21: {  	[tilespmem:s25], [sflag:$0x1] =	stream.strided.gather [hbm4b:s4+s11], $0x800, s12, s11, $0x38;
	[tilespmem:$0x4880] =	vst v63  }
0x22: {  	_ =	swait.ge [sflag:s19], $0x800  }
0x23: {  	[sflag:s19] =	ssyncset.done $0x0  }
0x24: {  	s26 =	sadd.s32 $0x2600, s2;
	s28 =	simm.s32 $0x3000;
	[sflag:s19] =	ssyncadd.s32 $0xFFFFF800  }
0x25: {  	[tilespmem:s28], [sflag:$0x1] =	stream.linear.gather [hbm4b:s26+s3], $0x80, $0x38;
	[tilespmem:$0x4880] =	vst v63  }
0x26: {  	_ =	swait.ge [sflag:s19], $0x80  }
0x27: {  	[sflag:s19] =	ssyncset.done $0x0  }
0x28: {  	s4 =	simm.s32 $0x0;
	[sflag:s19] =	ssyncadd.s32 $0xFFFFFF80  }
0x29: {  	v1 =	vld [tilespmem:s4+$0x0]  }
0x2a: {  	v3 =	vld [tilespmem:s4+$0x800]  }
0x2b: {  	v0 =	vld [tilespmem:$0x3000]  }
0x2c: {  	v2 =	vlaneseq.u32;
	v4 =	vld [tilespmem:s4+$0x10]  }
0x2d: {  	v2 =	vmul.u32 $0xFFFFFFFF, v2;
	v5 =	vld [tilespmem:s4+$0x810];
	_ =	sdelay $0x1  }
0x2e: {  	v6 =	vmov s3;
	v2 =	vadd.s32 $0x7FF, v2  }
0x2f: {  	s29 =	simm.s32 $0x10;
	vm2 =	vlt.u32 v6, v2;
	v7 =	vld [tilespmem:s4+$0x1000];
	vm0 =	vne.s32 v1, v3;
	vm1 =	vne.s32 v3, $0xFFFFFF9C  }
0x30: {  	v6 =	vmov s29;
	v1 =	vadd.s32 $0x1, v0;
	v3 =	vld [tilespmem:s4+$0x1010];
	vm0 =	vmand vm0, vm1  }
0x31: {  	vm7 =	vne.s32 v4, v5;
	vm8 =	vne.s32 v5, $0xFFFFFF9C;
	v4 =	vld [tilespmem:s4+$0x2800];
	vm0 =	vmand vm0, vm2  }
0x32: {  	vm3 =	vlt.u32 v6, v2;
	v8 =	vsel vm0, v1, v0;
	vm0 =	vmand vm7, vm8  }
0x33: {  	vm9 =	vlt.s32 v8, $0x3;
	vm0 =	vmand vm0, vm3  }
0x34: {  	vm10 =	veq.s32 v7, $0x1;
	v5 =	vnsel vm9, $0x3, v8;
	v6 =	vsel vm0, v1, v0  }
0x35: {  	v5 =	vnsel vm10, $0xFFFFFF9C, v5;
	vm12 =	vlt.s32 v6, $0x3  }
0x36: {  	vm13 =	veq.s32 v3, $0x1;
	vm11 =	veq.s32 v5, $0xFFFFFF9C;
	v3 =	vnsel vm12, $0x3, v6  }
0x37: {  	v8 =	vld [tilespmem:s4+$0x820];
	[tilespmem:s4+$0x3080] =	vst v5;
	v7 =	vsel vm11, $0x0, v5;
	v3 =	vnsel vm13, $0xFFFFFF9C, v3  }
0x38: {  	s2 =	simm.s32 $0x3880;
	v5 =	vld [tilespmem:s4+$0x1800];
	[tilespmem:s4+$0x3880] =	vst v7;
	vm0 =	veq.s32 v3, $0xFFFFFF9C  }
0x39: {  	v6 =	vsel vm0, $0x0, v3;
	v4 =	vld.idx.msk [tilespmem:v4+s2+$0x0], $0xffff  }
0x3a: {  	[tilespmem:s4+$0x3890] =	vst v6;
	v6 =	vld [tilespmem:s4+$0x2000]  }
0x3b: {  	[tilespmem:s4+$0x3090] =	vst v3;
	v3 =	vld [tilespmem:s4+$0x2810]  }
0x3c: {  	v7 =	vld [tilespmem:s4+$0x20]  }
0x3d: {  	vm14 =	veq.s32 v5, $0x0  }
0x3e: {  	s30 =	simm.s32 $0x20;
	v9 =	vld [tilespmem:s4+$0x30];
	v4 =	vsel vm14, $0x0, v4  }
0x3f: {  	v11 =	vmov s30;
	v10 =	vld [tilespmem:s4+$0x830];
	vm0 =	vgt.s32 v6, v4  }
0x40: {  	vm5 =	vlt.u32 v11, v2;
	v11 =	vld [tilespmem:s4+$0x2010];
	v4 =	vsel vm0, v6, v4  }
0x41: {  	vm4 =	vne.s32 v8, $0xFFFFFF9C;
	vm15 =	vne.s32 v7, v8;
	[tilespmem:s4+$0x4080] =	vst v4;
	v4 =	vld [tilespmem:s4+$0x1020]  }
0x42: {  	v6 =	vld [tilespmem:s4+$0x1810];
	vm0 =	vmand vm15, vm4  }
0x43: {  	s31 =	simm.s32 $0x30;
	vm0 =	vmand vm0, vm5;
	v3 =	vld.idx.msk [tilespmem:v3+s2+$0x0], $0xffff  }
0x44: {  	vm8 =	vne.s32 v9, v10;
	v5 =	vld [tilespmem:s4+$0x1030];
	v8 =	vmov s31;
	v7 =	vsel vm0, v1, v0  }
0x45: {  	vm9 =	vne.s32 v10, $0xFFFFFF9C;
	vm6 =	vlt.u32 v8, v2;
	v8 =	vld [tilespmem:s4+$0x2820];
	vm0 =	vlt.s32 v7, $0x3  }
0x46: {  	vm10 =	vmand vm8, vm9;
	v7 =	vnsel vm0, $0x3, v7;
	vm7 =	veq.s32 v4, $0x1  }
0x47: {  	vm0 =	vmand vm10, vm6;
	vm11 =	veq.s32 v6, $0x0;
	v4 =	vnsel vm7, $0xFFFFFF9C, v7  }
0x48: {  	v6 =	vsel vm0, v1, v0;
	v3 =	vsel vm11, $0x0, v3;
	vm12 =	veq.s32 v4, $0xFFFFFF9C  }
0x49: {  	vm14 =	vlt.s32 v6, $0x3;
	[tilespmem:s4+$0x30A0] =	vst v4;
	vm13 =	vgt.s32 v11, v3;
	v4 =	vsel vm12, $0x0, v4  }
0x4a: {  	vm15 =	veq.s32 v5, $0x1;
	v5 =	vnsel vm14, $0x3, v6;
	[tilespmem:s4+$0x38A0] =	vst v4;
	v4 =	vsel vm13, v11, v3  }
0x4b: {  	v6 =	vld [tilespmem:s4+$0x1820];
	[tilespmem:s4+$0x4090] =	vst v4;
	v4 =	vnsel vm15, $0xFFFFFF9C, v5  }
0x4c: {  	v3 =	vld [tilespmem:s4+$0x2020];
	vm0 =	veq.s32 v4, $0xFFFFFF9C  }
0x4d: {  	v5 =	vld.idx.msk [tilespmem:v8+s2+$0x0], $0xffff;
	[tilespmem:s4+$0x30B0] =	vst v4;
	v4 =	vsel vm0, $0x0, v4  }
0x4e: {  	s7 =	simm.s32 $0x40;
	[tilespmem:s4+$0x38B0] =	vst v4;
	v4 =	vld [tilespmem:s4+$0x2830]  }
0x4f: {  	v7 =	vld [tilespmem:s7+$0x0]  }
0x50: {  	v8 =	vld [tilespmem:s7+$0x800]  }
0x51: {  	s6 =	sadd.s32 s5, s9;
	s5 =	sadd.s32 s8, s9;
	s8 =	simm.s32 $0x200  }
.LBB2_2:
0x52: {  	p0 =	sne.s32 s8, $0x1F00;
	v9 =	vld [tilespmem:s7+$0x10];
	vm0 =	veq.s32 v6, $0x0  }
0x53: {  	s3 =	sadd.s32 $0x40, s3;
	v6 =	vld [tilespmem:s7+$0x810];
	v5 =	vsel vm0, $0x0, v5  }
0x54: {  	v10 =	vmov s3;
	vm0 =	vgt.s32 v3, v5;
	v11 =	vld [tilespmem:s4+$0x1830]  }
0x55: {  	v12 =	vld [tilespmem:s7+$0x1000];
	vm1 =	vne.s32 v7, v8;
	vm2 =	vne.s32 v8, $0xFFFFFF9C;
	v3 =	vsel vm0, v3, v5  }
0x56: {  	s9 =	sadd.s32 $0x10, s3;
	vm0 =	vlt.u32 v10, v2;
	vm1 =	vmand vm1, vm2;
	v5 =	vld [tilespmem:s7+$0x1010];
	[tilespmem:s4+$0x40A0] =	vst v3  }
0x57: {  	v3 =	vmov s9;
	vm0 =	vmand vm1, vm0;
	v4 =	vld.idx.msk [tilespmem:v4+s2+$0x0], $0xffff  }
0x58: {  	v7 =	vsel vm0, v1, v0;
	vm0 =	vne.s32 v9, v6;
	vm1 =	vne.s32 v6, $0xFFFFFF9C;
	v6 =	vld [tilespmem:s4+$0x2030]  }
0x59: {  	vm3 =	vlt.u32 v3, v2;
	vm2 =	vlt.s32 v7, $0x3;
	v8 =	vld [tilespmem:s7+$0x2800];
	vm0 =	vmand vm0, vm1  }
0x5a: {  	v3 =	vnsel vm2, $0x3, v7;
	vm1 =	veq.s32 v12, $0x1;
	vm0 =	vmand vm0, vm3  }
0x5b: {  	v3 =	vnsel vm1, $0xFFFFFF9C, v3;
	v7 =	vsel vm0, v1, v0;
	vm0 =	veq.s32 v11, $0x0  }
0x5c: {  	vm3 =	veq.s32 v5, $0x1;
	vm1 =	veq.s32 v3, $0xFFFFFF9C;
	vm2 =	vlt.s32 v7, $0x3  }
0x5d: {  	v4 =	vsel vm0, $0x0, v4;
	v5 =	vsel vm1, $0x0, v3;
	v7 =	vnsel vm2, $0x3, v7  }
0x5e: {  	vm0 =	vgt.s32 v6, v4;
	[tilespmem:s7+$0x3880] =	vst v5;
	v5 =	vnsel vm3, $0xFFFFFF9C, v7  }
0x5f: {  	[tilespmem:s7+$0x3080] =	vst v3;
	vm1 =	veq.s32 v5, $0xFFFFFF9C;
	v3 =	vsel vm0, v6, v4  }
0x60: {  	v4 =	vld [tilespmem:s7+$0x1800];
	v6 =	vsel vm1, $0x0, v5;
	[tilespmem:s4+$0x40B0] =	vst v3;
	s4 =	smov.u32 s7  }
0x61: {  	v3 =	vld.idx.msk [tilespmem:v8+s2+$0x0], $0xffff;
	[tilespmem:s4+$0x3890] =	vst v6  }
0x62: {  	v6 =	vld [tilespmem:s4+$0x2000];
	[tilespmem:s4+$0x3090] =	vst v5  }
0x63: {  	v5 =	vld [tilespmem:s4+$0x2810]  }
0x64: {  	v7 =	vld [tilespmem:s4+$0x20]  }
0x65: {  	v8 =	vld [tilespmem:s4+$0x820]  }
0x66: {  	vm0 =	veq.s32 v4, $0x0;
	v4 =	vld [tilespmem:s4+$0x1030]  }
0x67: {  	v3 =	vsel vm0, $0x0, v3;
	v9 =	vld [tilespmem:s4+$0x30]  }
0x68: {  	vm0 =	vgt.s32 v6, v3;
	v10 =	vld [tilespmem:s4+$0x830]  }
0x69: {  	s7 =	sadd.s32 $0x20, s3;
	v3 =	vsel vm0, v6, v3;
	v6 =	vld [tilespmem:s4+$0x1810]  }
0x6a: {  	v11 =	vmov s7;
	s7 =	sadd.s32 $0x30, s3;
	[tilespmem:s4+$0x4080] =	vst v3;
	v3 =	vld [tilespmem:s4+$0x1020];
	vm0 =	vne.s32 v7, v8;
	vm1 =	vne.s32 v8, $0xFFFFFF9C  }
0x6b: {  	vm2 =	vlt.u32 v11, v2;
	v7 =	vmov s7;
	v5 =	vld.idx.msk [tilespmem:v5+s2+$0x0], $0xffff;
	vm0 =	vmand vm0, vm1  }
0x6c: {  	vm1 =	vlt.u32 v7, v2;
	v8 =	vld [tilespmem:s4+$0x2010];
	vm0 =	vmand vm0, vm2  }
0x6d: {  	v7 =	vsel vm0, v1, v0;
	v11 =	vld [tilespmem:s4+$0x2820];
	vm0 =	vne.s32 v9, v10;
	vm2 =	vne.s32 v10, $0xFFFFFF9C  }
0x6e: {  	vm3 =	vlt.s32 v7, $0x3;
	vm0 =	vmand vm0, vm2;
	vm2 =	veq.s32 v4, $0x1  }
0x6f: {  	v4 =	vnsel vm3, $0x3, v7;
	vm3 =	veq.s32 v3, $0x1;
	vm0 =	vmand vm0, vm1  }
0x70: {  	vm1 =	veq.s32 v6, $0x0;
	v3 =	vnsel vm3, $0xFFFFFF9C, v4;
	v4 =	vsel vm0, v1, v0  }
0x71: {  	v5 =	vsel vm1, $0x0, v5;
	vm0 =	veq.s32 v3, $0xFFFFFF9C;
	vm1 =	vlt.s32 v4, $0x3  }
0x72: {  	vm3 =	vgt.s32 v8, v5;
	[tilespmem:s4+$0x30A0] =	vst v3;
	v3 =	vsel vm0, $0x0, v3;
	v4 =	vnsel vm1, $0x3, v4  }
0x73: {  	v5 =	vsel vm3, v8, v5;
	[tilespmem:s4+$0x38A0] =	vst v3;
	v3 =	vld [tilespmem:s4+$0x2020];
	v4 =	vnsel vm2, $0xFFFFFF9C, v4  }
0x74: {  	[tilespmem:s4+$0x4090] =	vst v5;
	v6 =	vld [tilespmem:s4+$0x1820];
	vm0 =	veq.s32 v4, $0xFFFFFF9C  }
.Ltmp1:
0x75: {  	v5 =	vld.idx.msk [tilespmem:v11+s2+$0x0], $0xffff;
	[tilespmem:s4+$0x30B0] =	vst v4;
	v4 =	vsel vm0, $0x0, v4;
	(pc) =	sbr.rel @p0 .LBB2_2-.Ltmp1, $4  }
0x76: {  	s7 =	sshra.s32 s8, $0x2;
	[tilespmem:s4+$0x38B0] =	vst v4;
	v4 =	vld [tilespmem:s4+$0x2830]  }
0x77: {  	v7 =	vld [tilespmem:s7+$0x0]  }
0x78: {  	v8 =	vld [tilespmem:s7+$0x800]  }
0x79: {  	s8 =	sadd.s32 $0x100, s8  }
0x7a: {  	v9 =	vld [tilespmem:s7+$0x10]  }
0x7b: {  	vm0 =	veq.s32 v6, $0x0;
	v31 =	vld [tilespmem:s7+$0x810]  }
0x7c: {  	s3 =	sadd.s32 $0x40, s3;
	v11 =	vld [tilespmem:s4+$0x1830];
	v5 =	vsel vm0, $0x0, v5  }
0x7d: {  	v12 =	vld [tilespmem:s7+$0x1000];
	v10 =	vmov s3;
	vm0 =	vgt.s32 v3, v5  }
0x7e: {  	v32 =	vld [tilespmem:s7+$0x1010];
	vm1 =	vne.s32 v7, v8;
	vm2 =	vne.s32 v8, $0xFFFFFF9C;
	v3 =	vsel vm0, v3, v5  }
0x7f: {  	v35 =	vld [tilespmem:s4+$0x2030];
	vm11 =	vlt.u32 v10, v2;
	vm1 =	vmand vm1, vm2;
	[tilespmem:s4+$0x40A0] =	vst v3  }
0x80: {  	vm0 =	vmand vm1, vm11;
	v3 =	vld.idx.msk [tilespmem:v4+s2+$0x0], $0xffff  }
0x81: {  	v36 =	vld [tilespmem:s7+$0x2800];
	v33 =	vsel vm0, v1, v0  }
0x82: {  	vm13 =	vlt.s32 v33, $0x3  }
0x83: {  	vm15 =	veq.s32 v12, $0x1;
	v4 =	vnsel vm13, $0x3, v33  }
0x84: {  	vm6 =	veq.s32 v11, $0x0;
	v4 =	vnsel vm15, $0xFFFFFF9C, v4  }
0x85: {  	vm1 =	veq.s32 v4, $0xFFFFFF9C;
	v3 =	vsel vm6, $0x0, v3  }
0x86: {  	[tilespmem:s7+$0x3080] =	vst v4;
	v38 =	vsel vm1, $0x0, v4;
	vm9 =	vgt.s32 v35, v3  }
0x87: {  	s8 =	sadd.s32 $0x10, s3;
	[tilespmem:s7+$0x3880] =	vst v38;
	v3 =	vsel vm9, v35, v3  }
0x88: {  	v34 =	vmov s8;
	vm12 =	vne.s32 v9, v31;
	vm14 =	vne.s32 v31, $0xFFFFFF9C;
	v41 =	vld [tilespmem:s7+$0x1800];
	[tilespmem:s4+$0x40B0] =	vst v3  }
0x89: {  	vm3 =	vlt.u32 v34, v2;
	vm0 =	vmand vm12, vm14;
	v6 =	vld.idx.msk [tilespmem:v36+s2+$0x0], $0xffff  }
0x8a: {  	vm0 =	vmand vm0, vm3;
	v43 =	vld [tilespmem:s7+$0x2000]  }
0x8b: {  	v37 =	vsel vm0, v1, v0;
	v44 =	vld [tilespmem:s7+$0x2810]  }
0x8c: {  	vm7 =	vlt.s32 v37, $0x3;
	v45 =	vld [tilespmem:s7+$0x20]  }
0x8d: {  	vm8 =	veq.s32 v32, $0x1;
	v39 =	vnsel vm7, $0x3, v37;
	v46 =	vld [tilespmem:s7+$0x820]  }
0x8e: {  	v40 =	vnsel vm8, $0xFFFFFF9C, v39  }
0x8f: {  	vm10 =	veq.s32 v41, $0x0;
	vm0 =	veq.s32 v40, $0xFFFFFF9C  }
0x90: {  	s25 =	sadd.s32 $0x20, s3;
	v42 =	vsel vm0, $0x0, v40;
	v48 =	vld [tilespmem:s7+$0x30];
	v6 =	vsel vm10, $0x0, v6  }
0x91: {  	v52 =	vmov s25;
	[tilespmem:s7+$0x3890] =	vst v42;
	v50 =	vld [tilespmem:s7+$0x1810];
	vm0 =	vgt.s32 v43, v6  }
0x92: {  	[tilespmem:s7+$0x3090] =	vst v40;
	v51 =	vld [tilespmem:s7+$0x1020];
	vm11 =	vne.s32 v45, v46;
	vm12 =	vne.s32 v46, $0xFFFFFF9C;
	v3 =	vsel vm0, v43, v6  }
0x93: {  	vm13 =	vlt.u32 v52, v2;
	v55 =	vld [tilespmem:s7+$0x2010];
	vm0 =	vmand vm11, vm12;
	[tilespmem:s7+$0x4080] =	vst v3  }
0x94: {  	vm0 =	vmand vm0, vm13;
	v4 =	vld.idx.msk [tilespmem:v44+s2+$0x0], $0xffff  }
0x95: {  	v56 =	vld [tilespmem:s7+$0x2820];
	v53 =	vsel vm0, v1, v0  }
0x96: {  	v49 =	vld [tilespmem:s7+$0x830];
	vm0 =	vlt.s32 v53, $0x3  }
0x97: {  	vm15 =	veq.s32 v51, $0x1;
	v7 =	vnsel vm0, $0x3, v53  }
0x98: {  	vm9 =	veq.s32 v50, $0x0;
	v3 =	vnsel vm15, $0xFFFFFF9C, v7  }
0x99: {  	s3 =	sadd.s32 $0x30, s3;
	vm10 =	veq.s32 v3, $0xFFFFFF9C;
	v4 =	vsel vm9, $0x0, v4  }
0x9a: {  	v54 =	vmov s3;
	v47 =	vld [tilespmem:s7+$0x1030];
	[tilespmem:s7+$0x30A0] =	vst v3;
	v3 =	vsel vm10, $0x0, v3;
	vm11 =	vgt.s32 v55, v4  }
0x9b: {  	v59 =	vld [tilespmem:s7+$0x2020];
	vm6 =	vne.s32 v48, v49;
	vm7 =	vne.s32 v49, $0xFFFFFF9C;
	[tilespmem:s7+$0x38A0] =	vst v3;
	v58 =	vsel vm11, v55, v4  }
0x9c: {  	vm14 =	vlt.u32 v54, v2;
	v60 =	vld [tilespmem:s7+$0x1820];
	vm8 =	vmand vm6, vm7;
	[tilespmem:s7+$0x4090] =	vst v58  }
0x9d: {  	vm0 =	vmand vm8, vm14;
	v2 =	vld.idx.msk [tilespmem:v56+s2+$0x0], $0xffff  }
0x9e: {  	v61 =	vld [tilespmem:s7+$0x2830];
	v57 =	vsel vm0, v1, v0  }
0x9f: {  	vm12 =	vlt.s32 v57, $0x3  }
0xa0: {  	vm13 =	veq.s32 v47, $0x1;
	v0 =	vnsel vm12, $0x3, v57  }
0xa1: {  	vm14 =	veq.s32 v60, $0x0;
	v0 =	vnsel vm13, $0xFFFFFF9C, v0  }
0xa2: {  	vm0 =	veq.s32 v0, $0xFFFFFF9C;
	v1 =	vsel vm14, $0x0, v2  }
0xa3: {  	[tilespmem:s7+$0x30B0] =	vst v0;
	v0 =	vsel vm0, $0x0, v0;
	vm0 =	vgt.s32 v59, v1  }
0xa4: {  	[tilespmem:s7+$0x38B0] =	vst v0;
	v1 =	vsel vm0, v59, v1  }
0xa5: {  	v62 =	vld [tilespmem:s7+$0x1830];
	[tilespmem:s7+$0x40A0] =	vst v1  }
0xa6: {  	v0 =	vld.idx.msk [tilespmem:v61+s2+$0x0], $0xffff  }
0xa7: {  	v63 =	vld [tilespmem:s7+$0x2030];
	_ =	sdelay $0x2  }
0xa8: {  	vm15 =	veq.s32 v62, $0x0  }
0xa9: {  	v0 =	vsel vm15, $0x0, v0  }
0xaa: {  	vm0 =	vgt.s32 v63, v0  }
0xab: {  	s26 =	simm.s32 $0x80;
	v0 =	vsel vm0, v63, v0  }
0xac: {  	s28 =	simm.s32 $0x400;
	s29 =	simm.s32 $0x3080;
	s30 =	simm.s32 $0x1;
	[tilespmem:s7+$0x40B0] =	vst v0  }
0xad: {  	[hbm4b:s6+s26] =	stream.strided.scatter [tilespmem:s29], [sflag:$0x1], $0x800, s28, s26, $0x38;
	[tilespmem:$0x4880] =	vst v63  }
0xae: {  	_ =	swait.ge [sflag:s30], $0x800  }
0xaf: {  	[sflag:s30] =	ssyncset.done $0x0  }
0xb0: {  	s31 =	simm.s32 $0x4080;
	[sflag:s30] =	ssyncadd.s32 $0xFFFFF800  }
0xb1: {  	[hbm4b:s5+s26] =	stream.strided.scatter [tilespmem:s31], [sflag:$0x1], $0x800, s28, s26, $0x38;
	[tilespmem:$0x4880] =	vst v63  }
0xb2: {  	_ =	swait.ge [sflag:s30], $0x800  }
0xb3: {  	[sflag:s30] =	ssyncset.done $0x0  }
0xb4: {  	[sflag:s30] =	ssyncadd.s32 $0xFFFFF800  }
.LBB2_4:
0xb5: {  	_ =	sfence.sel $0x180000  }
0xb6: {  	[bflag:$0x0] =	sbarrier.arrive $0xFFFF  }
0xb7: {  	p0 =	sne.s32 s1, $0x0;
	_ =	strace $0x9000004A  }
0xb8: {  	s0 =	sadd.s32 @!p0 $0x100000, s0;
	[bflag:$0x2] =	sbarrier.arrive $0xFFFF  }
0xb9: {  	[sflag:s0] =	ssyncadd.tile.s32 @!p0 $0x1;
	_ =	shalt  }
.Lfunc_end2:
_tile_overlayer_lowered:
.L_overlay_start_2:
0xba: {  	(tag) =	ssettag $0x2  }
0xbb: {  	s0 =	rddreg [dreg:$0x0];
	s2 =	stileid.u32  }
0xbc: {  	s1 =	rddreg [dreg:$0x1];
	p0 =	sne.s32 s2, $0x0  }
0xbd: {  	s3 =	rddreg [dreg:$0x2];
	[bflag:$0x3] =	sbarrier.arrive $0xFFFF;
	s2 =	simm.s32 @!p0 $0x1C01  }
0xbe: {  	[timem:s3], [sflag:s2] =	dma.local @!p0 [hbm:s0], s1  }
0xbf: {  	s0 =	simm.s32 @!p0 $0x1  }
0xc0: {  	_ =	swait.ge @!p0 [sflag:s0], s1  }
0xc1: {  	s1 =	ssub.s32 @!p0 $0x0, s1;
	[sflag:s0] =	ssyncset.done @!p0 $0x0  }
0xc2: {  	[sflag:s0] =	ssyncadd.s32 @!p0 s1  }
0xc3: {  	[bflag:$0x3] =	sbarrier.arrive $0xFFFF  }
0xc4: {  	_ =	shalt  }

</sc_bundles>
